<compile_context>
chip_gen: v7x
topology: tpu7x:2x2x1
jax: 0.10.2.dev20260603
libtpu: 0.0.44.dev20260713+nightly
codegen_flags: <defaults>
</compile_context>

<pallas_src>
import functools

import jax
import jax.numpy as jnp
from jax import lax
from jax.experimental import pallas as pl
from jax.experimental.pallas import tpu as pltpu
from jax.experimental.pallas import tpu_sc as plsc

NUM_CORES = 2
NUM_SUBCORES = 16
NUM_WORKERS = NUM_CORES * NUM_SUBCORES
BATCH = 16384
EMBED_DIM = 6
VOCAB_ROWS = 1000000
B_PER_W = BATCH // NUM_WORKERS
CHUNK = 128
N_CHUNKS = B_PER_W // CHUNK

_mesh = plsc.VectorSubcoreMesh(
    core_axis_name="c", subcore_axis_name="s",
    num_cores=NUM_CORES, num_subcores=NUM_SUBCORES,
)


@functools.partial(
    pl.kernel,
    out_type=jax.ShapeDtypeStruct((EMBED_DIM, BATCH), jnp.float32),
    mesh=_mesh,
    compiler_params=pltpu.CompilerParams(
        use_tc_tiling_on_sc=False, needs_layout_passes=False),
    scratch_types=[
        pltpu.VMEM((B_PER_W,), jnp.int32),
        pltpu.VMEM((EMBED_DIM, B_PER_W), jnp.float32),
        pltpu.SemaphoreType.DMA,
    ],
)
def _sc_gather(idx_hbm, p0, p1, p2, p3, p4, p5, out_t, idx_v, cols_v, sem):
    wid = lax.axis_index("s") * NUM_CORES + lax.axis_index("c")
    base = wid * B_PER_W
    pltpu.sync_copy(idx_hbm.at[pl.ds(base, B_PER_W)], idx_v)
    copies = []
    planes = (p0, p1, p2, p3, p4, p5)
    for k in range(EMBED_DIM):
        plane = planes[k]
        for j in range(N_CHUNKS):
            copies.append(
                pltpu.async_copy(
                    plane.at[idx_v.at[pl.ds(j * CHUNK, CHUNK)]],
                    cols_v.at[k, pl.ds(j * CHUNK, CHUNK)],
                    sem,
                )
            )
    for c in copies:
        c.wait()
    for k in range(EMBED_DIM):
        pltpu.sync_copy(cols_v.at[k], out_t.at[k, pl.ds(base, B_PER_W)])


def kernel(indices, table):
    idx = indices.astype(jnp.int32)
    cols = [table[:, k] for k in range(EMBED_DIM)]
    return _sc_gather(idx, *cols).T

# --- scband reference (transcript-rebuilt; emitter-appended) ---
"""Pipeline reference for scband-se3-62818191671567 (READ-ONLY COPY).

The authoritative reference and input builder live on the scoring server;
editing this copy changes nothing except your own understanding.
"""

import jax, jax.numpy as jnp
import numpy as np

VOCAB = 1000000
EMBED_DIM = 6
BATCH = 16384

def setup_inputs(seed: int = 0) -> dict:
    key = jax.random.key(seed)
    k_idx, k_tab = jax.random.split(key)
    indices = jax.random.randint(k_idx, (BATCH,), 0, VOCAB, dtype=jnp.int64 if jax.config.jax_enable_x64 else jnp.int32)
    table = jax.random.normal(k_tab, (VOCAB, EMBED_DIM), dtype=jnp.float32)
    return {"indices": indices, "table": table}

def reference(indices, table):
    # SE3.params is an nn.Embedding(shape_1, 6); forward is a row gather.
    return jnp.take(table, indices, axis=0)

if __name__ == "__main__":
    import jax
    _d = setup_inputs()
    print(jax.jit(kernel)(*tuple(_d.values())))

</pallas_src>

<mosaic_0001>
#map = affine_map<(d0, d1) -> (0)>
#map1 = affine_map<(d0, d1) -> (0, 0)>
module attributes {stable_mosaic.version = 14 : i64} {
  func.func @_sc_gather(%arg0: i32, %arg1: i32, %arg2: memref<16384xi32, #tpu.memory_space<hbm>>, %arg3: memref<1000000xf32, #tpu.memory_space<hbm>>, %arg4: memref<1000000xf32, #tpu.memory_space<hbm>>, %arg5: memref<1000000xf32, #tpu.memory_space<hbm>>, %arg6: memref<1000000xf32, #tpu.memory_space<hbm>>, %arg7: memref<1000000xf32, #tpu.memory_space<hbm>>, %arg8: memref<1000000xf32, #tpu.memory_space<hbm>>, %arg9: memref<6x16384xf32, #tpu.memory_space<hbm>>, %arg10: memref<512xi32, #tpu.memory_space<vmem>>, %arg11: memref<6x512xf32, #tpu.memory_space<vmem>>, %arg12: memref<!tpu.dma_semaphore, #tpu.memory_space<semaphore_mem>>) attributes {dimension_semantics = [#tpu.dimension_semantics<core_parallel>, #tpu.dimension_semantics<subcore_parallel>], iteration_bounds = array<i64: 2, 16>, scalar_prefetch = 0 : i64, scratch_operands = 3 : i64, tpu.core_type = #tpu.core_type<sc_vector_subcore>, window_params = [{transform_indices = #map}, {transform_indices = #map}, {transform_indices = #map}, {transform_indices = #map}, {transform_indices = #map}, {transform_indices = #map}, {transform_indices = #map}, {transform_indices = #map1}]} {
    %mul3A = arith.constant 2 : i32
    %mul3A_0 = arith.muli %arg1, %mul3A : i32
    %add3A = arith.addi %mul3A_0, %arg0 : i32
    %mul3A_1 = arith.constant 512 : i32
    %mul3A_2 = arith.muli %add3A, %mul3A_1 : i32
    "tpu.region"() ({
      %run_scoped3A_396 = tpu.sem_alloc : memref<!tpu.dma_semaphore, #tpu.memory_space<semaphore_mem>>
      %dma_start3A_397 = tpu.memref_slice %arg2[%mul3A_2] : memref<16384xi32, #tpu.memory_space<hbm>> -> memref<512xi32, #tpu.memory_space<hbm>>
      %dma_start3A_398 = tpu.memref_slice %arg2[%mul3A_2] : memref<16384xi32, #tpu.memory_space<hbm>> -> memref<512xi32, #tpu.memory_space<hbm>>
      tpu.enqueue_dma source(%dma_start3A_398 : memref<512xi32, #tpu.memory_space<hbm>>) target(%arg10 : memref<512xi32, #tpu.memory_space<vmem>>) target_semaphore(%run_scoped3A_396 : memref<!tpu.dma_semaphore, #tpu.memory_space<semaphore_mem>>)
      %dma_wait3A_399 = tpu.memref_slice %arg2[%mul3A_2] : memref<16384xi32, #tpu.memory_space<hbm>> -> memref<512xi32, #tpu.memory_space<hbm>>
      %dma_wait3A_400 = tpu.memref_slice %arg2[%mul3A_2] : memref<16384xi32, #tpu.memory_space<hbm>> -> memref<512xi32, #tpu.memory_space<hbm>>
      tpu.wait_dma2 semaphore(%run_scoped3A_396 : memref<!tpu.dma_semaphore, #tpu.memory_space<semaphore_mem>>) src(%dma_wait3A_400 : memref<512xi32, #tpu.memory_space<hbm>>) dst(%arg10 : memref<512xi32, #tpu.memory_space<vmem>>)
      tpu.yield
    }) : () -> ()
    %dma_start3A = arith.constant 0 : i32
    %dma_start3A_3 = arith.constant 0 : i32
    %dma_start3A_4 = tpu.memref_slice %arg11[%dma_start3A, %dma_start3A_3] : memref<6x512xf32, #tpu.memory_space<vmem>> -> memref<1x128xf32, #tpu.memory_space<vmem>>
    %dma_start3A_5 = tpu.memref_squeeze %dma_start3A_4 : memref<1x128xf32, #tpu.memory_space<vmem>> -> memref<128xf32, #tpu.memory_space<vmem>>
    %dma_start3A_6 = arith.constant 0 : i32
    %dma_start3A_7 = tpu.memref_slice %arg10[%dma_start3A_6] : memref<512xi32, #tpu.memory_space<vmem>> -> memref<128xi32, #tpu.memory_space<vmem>>
    %dma_start3A_8 = arith.constant 0 : i32
    %dma_start3A_9 = tpu.memref_slice %arg3[%dma_start3A_8] : memref<1000000xf32, #tpu.memory_space<hbm>> -> memref<1000000xf32, #tpu.memory_space<hbm>>
    tpu.enqueue_indirect_dma source(%dma_start3A_9 : memref<1000000xf32, #tpu.memory_space<hbm>>) target(%dma_start3A_5 : memref<128xf32, #tpu.memory_space<vmem>>) offsets(%dma_start3A_7 : memref<128xi32, #tpu.memory_space<vmem>>) semaphore(%arg12 : memref<!tpu.dma_semaphore, #tpu.memory_space<semaphore_mem>>)
    %dma_start3A_10 = arith.constant 0 : i32
    %dma_start3A_11 = arith.constant 128 : i32
    %dma_start3A_12 = tpu.memref_slice %arg11[%dma_start3A_10, %dma_start3A_11] : memref<6x512xf32, #tpu.memory_space<vmem>> -> memref<1x128xf32, #tpu.memory_space<vmem>>
    %dma_start3A_13 = tpu.memref_squeeze %dma_start3A_12 : memref<1x128xf32, #tpu.memory_space<vmem>> -> memref<128xf32, #tpu.memory_space<vmem>>
    %dma_start3A_14 = arith.constant 128 : i32
    %dma_start3A_15 = tpu.memref_slice %arg10[%dma_start3A_14] : memref<512xi32, #tpu.memory_space<vmem>> -> memref<128xi32, #tpu.memory_space<vmem>>
    %dma_start3A_16 = arith.constant 0 : i32
    %dma_start3A_17 = tpu.memref_slice %arg3[%dma_start3A_16] : memref<1000000xf32, #tpu.memory_space<hbm>> -> memref<1000000xf32, #tpu.memory_space<hbm>>
    tpu.enqueue_indirect_dma source(%dma_start3A_17 : memref<1000000xf32, #tpu.memory_space<hbm>>) target(%dma_start3A_13 : memref<128xf32, #tpu.memory_space<vmem>>) offsets(%dma_start3A_15 : memref<128xi32, #tpu.memory_space<vmem>>) semaphore(%arg12 : memref<!tpu.dma_semaphore, #tpu.memory_space<semaphore_mem>>)
    %dma_start3A_18 = arith.constant 0 : i32
    %dma_start3A_19 = arith.constant 256 : i32
    %dma_start3A_20 = tpu.memref_slice %arg11[%dma_start3A_18, %dma_start3A_19] : memref<6x512xf32, #tpu.memory_space<vmem>> -> memref<1x128xf32, #tpu.memory_space<vmem>>
    %dma_start3A_21 = tpu.memref_squeeze %dma_start3A_20 : memref<1x128xf32, #tpu.memory_space<vmem>> -> memref<128xf32, #tpu.memory_space<vmem>>
    %dma_start3A_22 = arith.constant 256 : i32
    %dma_start3A_23 = tpu.memref_slice %arg10[%dma_start3A_22] : memref<512xi32, #tpu.memory_space<vmem>> -> memref<128xi32, #tpu.memory_space<vmem>>
    %dma_start3A_24 = arith.constant 0 : i32
    %dma_start3A_25 = tpu.memref_slice %arg3[%dma_start3A_24] : memref<1000000xf32, #tpu.memory_space<hbm>> -> memref<1000000xf32, #tpu.memory_space<hbm>>
    tpu.enqueue_indirect_dma source(%dma_start3A_25 : memref<1000000xf32, #tpu.memory_space<hbm>>) target(%dma_start3A_21 : memref<128xf32, #tpu.memory_space<vmem>>) offsets(%dma_start3A_23 : memref<128xi32, #tpu.memory_space<vmem>>) semaphore(%arg12 : memref<!tpu.dma_semaphore, #tpu.memory_space<semaphore_mem>>)
    %dma_start3A_26 = arith.constant 0 : i32
    %dma_start3A_27 = arith.constant 384 : i32
    %dma_start3A_28 = tpu.memref_slice %arg11[%dma_start3A_26, %dma_start3A_27] : memref<6x512xf32, #tpu.memory_space<vmem>> -> memref<1x128xf32, #tpu.memory_space<vmem>>
    %dma_start3A_29 = tpu.memref_squeeze %dma_start3A_28 : memref<1x128xf32, #tpu.memory_space<vmem>> -> memref<128xf32, #tpu.memory_space<vmem>>
    %dma_start3A_30 = arith.constant 384 : i32
    %dma_start3A_31 = tpu.memref_slice %arg10[%dma_start3A_30] : memref<512xi32, #tpu.memory_space<vmem>> -> memref<128xi32, #tpu.memory_space<vmem>>
    %dma_start3A_32 = arith.constant 0 : i32
    %dma_start3A_33 = tpu.memref_slice %arg3[%dma_start3A_32] : memref<1000000xf32, #tpu.memory_space<hbm>> -> memref<1000000xf32, #tpu.memory_space<hbm>>
    tpu.enqueue_indirect_dma source(%dma_start3A_33 : memref<1000000xf32, #tpu.memory_space<hbm>>) target(%dma_start3A_29 : memref<128xf32, #tpu.memory_space<vmem>>) offsets(%dma_start3A_31 : memref<128xi32, #tpu.memory_space<vmem>>) semaphore(%arg12 : memref<!tpu.dma_semaphore, #tpu.memory_space<semaphore_mem>>)
    %dma_start3A_34 = arith.constant 1 : i32
    %dma_start3A_35 = arith.constant 0 : i32
    %dma_start3A_36 = tpu.memref_slice %arg11[%dma_start3A_34, %dma_start3A_35] : memref<6x512xf32, #tpu.memory_space<vmem>> -> memref<1x128xf32, #tpu.memory_space<vmem>>
    %dma_start3A_37 = tpu.memref_squeeze %dma_start3A_36 : memref<1x128xf32, #tpu.memory_space<vmem>> -> memref<128xf32, #tpu.memory_space<vmem>>
    %dma_start3A_38 = arith.constant 0 : i32
    %dma_start3A_39 = tpu.memref_slice %arg10[%dma_start3A_38] : memref<512xi32, #tpu.memory_space<vmem>> -> memref<128xi32, #tpu.memory_space<vmem>>
    %dma_start3A_40 = arith.constant 0 : i32
    %dma_start3A_41 = tpu.memref_slice %arg4[%dma_start3A_40] : memref<1000000xf32, #tpu.memory_space<hbm>> -> memref<1000000xf32, #tpu.memory_space<hbm>>
    tpu.enqueue_indirect_dma source(%dma_start3A_41 : memref<1000000xf32, #tpu.memory_space<hbm>>) target(%dma_start3A_37 : memref<128xf32, #tpu.memory_space<vmem>>) offsets(%dma_start3A_39 : memref<128xi32, #tpu.memory_space<vmem>>) semaphore(%arg12 : memref<!tpu.dma_semaphore, #tpu.memory_space<semaphore_mem>>)
    %dma_start3A_42 = arith.constant 1 : i32
    %dma_start3A_43 = arith.constant 128 : i32
    %dma_start3A_44 = tpu.memref_slice %arg11[%dma_start3A_42, %dma_start3A_43] : memref<6x512xf32, #tpu.memory_space<vmem>> -> memref<1x128xf32, #tpu.memory_space<vmem>>
    %dma_start3A_45 = tpu.memref_squeeze %dma_start3A_44 : memref<1x128xf32, #tpu.memory_space<vmem>> -> memref<128xf32, #tpu.memory_space<vmem>>
    %dma_start3A_46 = arith.constant 128 : i32
    %dma_start3A_47 = tpu.memref_slice %arg10[%dma_start3A_46] : memref<512xi32, #tpu.memory_space<vmem>> -> memref<128xi32, #tpu.memory_space<vmem>>
    %dma_start3A_48 = arith.constant 0 : i32
    %dma_start3A_49 = tpu.memref_slice %arg4[%dma_start3A_48] : memref<1000000xf32, #tpu.memory_space<hbm>> -> memref<1000000xf32, #tpu.memory_space<hbm>>
    tpu.enqueue_indirect_dma source(%dma_start3A_49 : memref<1000000xf32, #tpu.memory_space<hbm>>) target(%dma_start3A_45 : memref<128xf32, #tpu.memory_space<vmem>>) offsets(%dma_start3A_47 : memref<128xi32, #tpu.memory_space<vmem>>) semaphore(%arg12 : memref<!tpu.dma_semaphore, #tpu.memory_space<semaphore_mem>>)
    %dma_start3A_50 = arith.constant 1 : i32
    %dma_start3A_51 = arith.constant 256 : i32
    %dma_start3A_52 = tpu.memref_slice %arg11[%dma_start3A_50, %dma_start3A_51] : memref<6x512xf32, #tpu.memory_space<vmem>> -> memref<1x128xf32, #tpu.memory_space<vmem>>
    %dma_start3A_53 = tpu.memref_squeeze %dma_start3A_52 : memref<1x128xf32, #tpu.memory_space<vmem>> -> memref<128xf32, #tpu.memory_space<vmem>>
    %dma_start3A_54 = arith.constant 256 : i32
    %dma_start3A_55 = tpu.memref_slice %arg10[%dma_start3A_54] : memref<512xi32, #tpu.memory_space<vmem>> -> memref<128xi32, #tpu.memory_space<vmem>>
    %dma_start3A_56 = arith.constant 0 : i32
    %dma_start3A_57 = tpu.memref_slice %arg4[%dma_start3A_56] : memref<1000000xf32, #tpu.memory_space<hbm>> -> memref<1000000xf32, #tpu.memory_space<hbm>>
    tpu.enqueue_indirect_dma source(%dma_start3A_57 : memref<1000000xf32, #tpu.memory_space<hbm>>) target(%dma_start3A_53 : memref<128xf32, #tpu.memory_space<vmem>>) offsets(%dma_start3A_55 : memref<128xi32, #tpu.memory_space<vmem>>) semaphore(%arg12 : memref<!tpu.dma_semaphore, #tpu.memory_space<semaphore_mem>>)
    %dma_start3A_58 = arith.constant 1 : i32
    %dma_start3A_59 = arith.constant 384 : i32
    %dma_start3A_60 = tpu.memref_slice %arg11[%dma_start3A_58, %dma_start3A_59] : memref<6x512xf32, #tpu.memory_space<vmem>> -> memref<1x128xf32, #tpu.memory_space<vmem>>
    %dma_start3A_61 = tpu.memref_squeeze %dma_start3A_60 : memref<1x128xf32, #tpu.memory_space<vmem>> -> memref<128xf32, #tpu.memory_space<vmem>>
    %dma_start3A_62 = arith.constant 384 : i32
    %dma_start3A_63 = tpu.memref_slice %arg10[%dma_start3A_62] : memref<512xi32, #tpu.memory_space<vmem>> -> memref<128xi32, #tpu.memory_space<vmem>>
    %dma_start3A_64 = arith.constant 0 : i32
    %dma_start3A_65 = tpu.memref_slice %arg4[%dma_start3A_64] : memref<1000000xf32, #tpu.memory_space<hbm>> -> memref<1000000xf32, #tpu.memory_space<hbm>>
    tpu.enqueue_indirect_dma source(%dma_start3A_65 : memref<1000000xf32, #tpu.memory_space<hbm>>) target(%dma_start3A_61 : memref<128xf32, #tpu.memory_space<vmem>>) offsets(%dma_start3A_63 : memref<128xi32, #tpu.memory_space<vmem>>) semaphore(%arg12 : memref<!tpu.dma_semaphore, #tpu.memory_space<semaphore_mem>>)
    %dma_start3A_66 = arith.constant 2 : i32
    %dma_start3A_67 = arith.constant 0 : i32
    %dma_start3A_68 = tpu.memref_slice %arg11[%dma_start3A_66, %dma_start3A_67] : memref<6x512xf32, #tpu.memory_space<vmem>> -> memref<1x128xf32, #tpu.memory_space<vmem>>
    %dma_start3A_69 = tpu.memref_squeeze %dma_start3A_68 : memref<1x128xf32, #tpu.memory_space<vmem>> -> memref<128xf32, #tpu.memory_space<vmem>>
    %dma_start3A_70 = arith.constant 0 : i32
    %dma_start3A_71 = tpu.memref_slice %arg10[%dma_start3A_70] : memref<512xi32, #tpu.memory_space<vmem>> -> memref<128xi32, #tpu.memory_space<vmem>>
    %dma_start3A_72 = arith.constant 0 : i32
    %dma_start3A_73 = tpu.memref_slice %arg5[%dma_start3A_72] : memref<1000000xf32, #tpu.memory_space<hbm>> -> memref<1000000xf32, #tpu.memory_space<hbm>>
    tpu.enqueue_indirect_dma source(%dma_start3A_73 : memref<1000000xf32, #tpu.memory_space<hbm>>) target(%dma_start3A_69 : memref<128xf32, #tpu.memory_space<vmem>>) offsets(%dma_start3A_71 : memref<128xi32, #tpu.memory_space<vmem>>) semaphore(%arg12 : memref<!tpu.dma_semaphore, #tpu.memory_space<semaphore_mem>>)
    %dma_start3A_74 = arith.constant 2 : i32
    %dma_start3A_75 = arith.constant 128 : i32
    %dma_start3A_76 = tpu.memref_slice %arg11[%dma_start3A_74, %dma_start3A_75] : memref<6x512xf32, #tpu.memory_space<vmem>> -> memref<1x128xf32, #tpu.memory_space<vmem>>
    %dma_start3A_77 = tpu.memref_squeeze %dma_start3A_76 : memref<1x128xf32, #tpu.memory_space<vmem>> -> memref<128xf32, #tpu.memory_space<vmem>>
    %dma_start3A_78 = arith.constant 128 : i32
    %dma_start3A_79 = tpu.memref_slice %arg10[%dma_start3A_78] : memref<512xi32, #tpu.memory_space<vmem>> -> memref<128xi32, #tpu.memory_space<vmem>>
    %dma_start3A_80 = arith.constant 0 : i32
    %dma_start3A_81 = tpu.memref_slice %arg5[%dma_start3A_80] : memref<1000000xf32, #tpu.memory_space<hbm>> -> memref<1000000xf32, #tpu.memory_space<hbm>>
    tpu.enqueue_indirect_dma source(%dma_start3A_81 : memref<1000000xf32, #tpu.memory_space<hbm>>) target(%dma_start3A_77 : memref<128xf32, #tpu.memory_space<vmem>>) offsets(%dma_start3A_79 : memref<128xi32, #tpu.memory_space<vmem>>) semaphore(%arg12 : memref<!tpu.dma_semaphore, #tpu.memory_space<semaphore_mem>>)
    %dma_start3A_82 = arith.constant 2 : i32
    %dma_start3A_83 = arith.constant 256 : i32
    %dma_start3A_84 = tpu.memref_slice %arg11[%dma_start3A_82, %dma_start3A_83] : memref<6x512xf32, #tpu.memory_space<vmem>> -> memref<1x128xf32, #tpu.memory_space<vmem>>
    %dma_start3A_85 = tpu.memref_squeeze %dma_start3A_84 : memref<1x128xf32, #tpu.memory_space<vmem>> -> memref<128xf32, #tpu.memory_space<vmem>>
    %dma_start3A_86 = arith.constant 256 : i32
    %dma_start3A_87 = tpu.memref_slice %arg10[%dma_start3A_86] : memref<512xi32, #tpu.memory_space<vmem>> -> memref<128xi32, #tpu.memory_space<vmem>>
    %dma_start3A_88 = arith.constant 0 : i32
    %dma_start3A_89 = tpu.memref_slice %arg5[%dma_start3A_88] : memref<1000000xf32, #tpu.memory_space<hbm>> -> memref<1000000xf32, #tpu.memory_space<hbm>>
    tpu.enqueue_indirect_dma source(%dma_start3A_89 : memref<1000000xf32, #tpu.memory_space<hbm>>) target(%dma_start3A_85 : memref<128xf32, #tpu.memory_space<vmem>>) offsets(%dma_start3A_87 : memref<128xi32, #tpu.memory_space<vmem>>) semaphore(%arg12 : memref<!tpu.dma_semaphore, #tpu.memory_space<semaphore_mem>>)
    %dma_start3A_90 = arith.constant 2 : i32
    %dma_start3A_91 = arith.constant 384 : i32
    %dma_start3A_92 = tpu.memref_slice %arg11[%dma_start3A_90, %dma_start3A_91] : memref<6x512xf32, #tpu.memory_space<vmem>> -> memref<1x128xf32, #tpu.memory_space<vmem>>
    %dma_start3A_93 = tpu.memref_squeeze %dma_start3A_92 : memref<1x128xf32, #tpu.memory_space<vmem>> -> memref<128xf32, #tpu.memory_space<vmem>>
    %dma_start3A_94 = arith.constant 384 : i32
    %dma_start3A_95 = tpu.memref_slice %arg10[%dma_start3A_94] : memref<512xi32, #tpu.memory_space<vmem>> -> memref<128xi32, #tpu.memory_space<vmem>>
    %dma_start3A_96 = arith.constant 0 : i32
    %dma_start3A_97 = tpu.memref_slice %arg5[%dma_start3A_96] : memref<1000000xf32, #tpu.memory_space<hbm>> -> memref<1000000xf32, #tpu.memory_space<hbm>>
    tpu.enqueue_indirect_dma source(%dma_start3A_97 : memref<1000000xf32, #tpu.memory_space<hbm>>) target(%dma_start3A_93 : memref<128xf32, #tpu.memory_space<vmem>>) offsets(%dma_start3A_95 : memref<128xi32, #tpu.memory_space<vmem>>) semaphore(%arg12 : memref<!tpu.dma_semaphore, #tpu.memory_space<semaphore_mem>>)
    %dma_start3A_98 = arith.constant 3 : i32
    %dma_start3A_99 = arith.constant 0 : i32
    %dma_start3A_100 = tpu.memref_slice %arg11[%dma_start3A_98, %dma_start3A_99] : memref<6x512xf32, #tpu.memory_space<vmem>> -> memref<1x128xf32, #tpu.memory_space<vmem>>
    %dma_start3A_101 = tpu.memref_squeeze %dma_start3A_100 : memref<1x128xf32, #tpu.memory_space<vmem>> -> memref<128xf32, #tpu.memory_space<vmem>>
    %dma_start3A_102 = arith.constant 0 : i32
    %dma_start3A_103 = tpu.memref_slice %arg10[%dma_start3A_102] : memref<512xi32, #tpu.memory_space<vmem>> -> memref<128xi32, #tpu.memory_space<vmem>>
    %dma_start3A_104 = arith.constant 0 : i32
    %dma_start3A_105 = tpu.memref_slice %arg6[%dma_start3A_104] : memref<1000000xf32, #tpu.memory_space<hbm>> -> memref<1000000xf32, #tpu.memory_space<hbm>>
    tpu.enqueue_indirect_dma source(%dma_start3A_105 : memref<1000000xf32, #tpu.memory_space<hbm>>) target(%dma_start3A_101 : memref<128xf32, #tpu.memory_space<vmem>>) offsets(%dma_start3A_103 : memref<128xi32, #tpu.memory_space<vmem>>) semaphore(%arg12 : memref<!tpu.dma_semaphore, #tpu.memory_space<semaphore_mem>>)
    %dma_start3A_106 = arith.constant 3 : i32
    %dma_start3A_107 = arith.constant 128 : i32
    %dma_start3A_108 = tpu.memref_slice %arg11[%dma_start3A_106, %dma_start3A_107] : memref<6x512xf32, #tpu.memory_space<vmem>> -> memref<1x128xf32, #tpu.memory_space<vmem>>
    %dma_start3A_109 = tpu.memref_squeeze %dma_start3A_108 : memref<1x128xf32, #tpu.memory_space<vmem>> -> memref<128xf32, #tpu.memory_space<vmem>>
    %dma_start3A_110 = arith.constant 128 : i32
    %dma_start3A_111 = tpu.memref_slice %arg10[%dma_start3A_110] : memref<512xi32, #tpu.memory_space<vmem>> -> memref<128xi32, #tpu.memory_space<vmem>>
    %dma_start3A_112 = arith.constant 0 : i32
    %dma_start3A_113 = tpu.memref_slice %arg6[%dma_start3A_112] : memref<1000000xf32, #tpu.memory_space<hbm>> -> memref<1000000xf32, #tpu.memory_space<hbm>>
    tpu.enqueue_indirect_dma source(%dma_start3A_113 : memref<1000000xf32, #tpu.memory_space<hbm>>) target(%dma_start3A_109 : memref<128xf32, #tpu.memory_space<vmem>>) offsets(%dma_start3A_111 : memref<128xi32, #tpu.memory_space<vmem>>) semaphore(%arg12 : memref<!tpu.dma_semaphore, #tpu.memory_space<semaphore_mem>>)
    %dma_start3A_114 = arith.constant 3 : i32
    %dma_start3A_115 = arith.constant 256 : i32
    %dma_start3A_116 = tpu.memref_slice %arg11[%dma_start3A_114, %dma_start3A_115] : memref<6x512xf32, #tpu.memory_space<vmem>> -> memref<1x128xf32, #tpu.memory_space<vmem>>
    %dma_start3A_117 = tpu.memref_squeeze %dma_start3A_116 : memref<1x128xf32, #tpu.memory_space<vmem>> -> memref<128xf32, #tpu.memory_space<vmem>>
    %dma_start3A_118 = arith.constant 256 : i32
    %dma_start3A_119 = tpu.memref_slice %arg10[%dma_start3A_118] : memref<512xi32, #tpu.memory_space<vmem>> -> memref<128xi32, #tpu.memory_space<vmem>>
    %dma_start3A_120 = arith.constant 0 : i32
    %dma_start3A_121 = tpu.memref_slice %arg6[%dma_start3A_120] : memref<1000000xf32, #tpu.memory_space<hbm>> -> memref<1000000xf32, #tpu.memory_space<hbm>>
    tpu.enqueue_indirect_dma source(%dma_start3A_121 : memref<1000000xf32, #tpu.memory_space<hbm>>) target(%dma_start3A_117 : memref<128xf32, #tpu.memory_space<vmem>>) offsets(%dma_start3A_119 : memref<128xi32, #tpu.memory_space<vmem>>) semaphore(%arg12 : memref<!tpu.dma_semaphore, #tpu.memory_space<semaphore_mem>>)
    %dma_start3A_122 = arith.constant 3 : i32
    %dma_start3A_123 = arith.constant 384 : i32
    %dma_start3A_124 = tpu.memref_slice %arg11[%dma_start3A_122, %dma_start3A_123] : memref<6x512xf32, #tpu.memory_space<vmem>> -> memref<1x128xf32, #tpu.memory_space<vmem>>
    %dma_start3A_125 = tpu.memref_squeeze %dma_start3A_124 : memref<1x128xf32, #tpu.memory_space<vmem>> -> memref<128xf32, #tpu.memory_space<vmem>>
    %dma_start3A_126 = arith.constant 384 : i32
    %dma_start3A_127 = tpu.memref_slice %arg10[%dma_start3A_126] : memref<512xi32, #tpu.memory_space<vmem>> -> memref<128xi32, #tpu.memory_space<vmem>>
    %dma_start3A_128 = arith.constant 0 : i32
    %dma_start3A_129 = tpu.memref_slice %arg6[%dma_start3A_128] : memref<1000000xf32, #tpu.memory_space<hbm>> -> memref<1000000xf32, #tpu.memory_space<hbm>>
    tpu.enqueue_indirect_dma source(%dma_start3A_129 : memref<1000000xf32, #tpu.memory_space<hbm>>) target(%dma_start3A_125 : memref<128xf32, #tpu.memory_space<vmem>>) offsets(%dma_start3A_127 : memref<128xi32, #tpu.memory_space<vmem>>) semaphore(%arg12 : memref<!tpu.dma_semaphore, #tpu.memory_space<semaphore_mem>>)
    %dma_start3A_130 = arith.constant 4 : i32
    %dma_start3A_131 = arith.constant 0 : i32
    %dma_start3A_132 = tpu.memref_slice %arg11[%dma_start3A_130, %dma_start3A_131] : memref<6x512xf32, #tpu.memory_space<vmem>> -> memref<1x128xf32, #tpu.memory_space<vmem>>
    %dma_start3A_133 = tpu.memref_squeeze %dma_start3A_132 : memref<1x128xf32, #tpu.memory_space<vmem>> -> memref<128xf32, #tpu.memory_space<vmem>>
    %dma_start3A_134 = arith.constant 0 : i32
    %dma_start3A_135 = tpu.memref_slice %arg10[%dma_start3A_134] : memref<512xi32, #tpu.memory_space<vmem>> -> memref<128xi32, #tpu.memory_space<vmem>>
    %dma_start3A_136 = arith.constant 0 : i32
    %dma_start3A_137 = tpu.memref_slice %arg7[%dma_start3A_136] : memref<1000000xf32, #tpu.memory_space<hbm>> -> memref<1000000xf32, #tpu.memory_space<hbm>>
    tpu.enqueue_indirect_dma source(%dma_start3A_137 : memref<1000000xf32, #tpu.memory_space<hbm>>) target(%dma_start3A_133 : memref<128xf32, #tpu.memory_space<vmem>>) offsets(%dma_start3A_135 : memref<128xi32, #tpu.memory_space<vmem>>) semaphore(%arg12 : memref<!tpu.dma_semaphore, #tpu.memory_space<semaphore_mem>>)
    %dma_start3A_138 = arith.constant 4 : i32
    %dma_start3A_139 = arith.constant 128 : i32
    %dma_start3A_140 = tpu.memref_slice %arg11[%dma_start3A_138, %dma_start3A_139] : memref<6x512xf32, #tpu.memory_space<vmem>> -> memref<1x128xf32, #tpu.memory_space<vmem>>
    %dma_start3A_141 = tpu.memref_squeeze %dma_start3A_140 : memref<1x128xf32, #tpu.memory_space<vmem>> -> memref<128xf32, #tpu.memory_space<vmem>>
    %dma_start3A_142 = arith.constant 128 : i32
    %dma_start3A_143 = tpu.memref_slice %arg10[%dma_start3A_142] : memref<512xi32, #tpu.memory_space<vmem>> -> memref<128xi32, #tpu.memory_space<vmem>>
    %dma_start3A_144 = arith.constant 0 : i32
    %dma_start3A_145 = tpu.memref_slice %arg7[%dma_start3A_144] : memref<1000000xf32, #tpu.memory_space<hbm>> -> memref<1000000xf32, #tpu.memory_space<hbm>>
    tpu.enqueue_indirect_dma source(%dma_start3A_145 : memref<1000000xf32, #tpu.memory_space<hbm>>) target(%dma_start3A_141 : memref<128xf32, #tpu.memory_space<vmem>>) offsets(%dma_start3A_143 : memref<128xi32, #tpu.memory_space<vmem>>) semaphore(%arg12 : memref<!tpu.dma_semaphore, #tpu.memory_space<semaphore_mem>>)
    %dma_start3A_146 = arith.constant 4 : i32
    %dma_start3A_147 = arith.constant 256 : i32
    %dma_start3A_148 = tpu.memref_slice %arg11[%dma_start3A_146, %dma_start3A_147] : memref<6x512xf32, #tpu.memory_space<vmem>> -> memref<1x128xf32, #tpu.memory_space<vmem>>
    %dma_start3A_149 = tpu.memref_squeeze %dma_start3A_148 : memref<1x128xf32, #tpu.memory_space<vmem>> -> memref<128xf32, #tpu.memory_space<vmem>>
    %dma_start3A_150 = arith.constant 256 : i32
    %dma_start3A_151 = tpu.memref_slice %arg10[%dma_start3A_150] : memref<512xi32, #tpu.memory_space<vmem>> -> memref<128xi32, #tpu.memory_space<vmem>>
    %dma_start3A_152 = arith.constant 0 : i32
    %dma_start3A_153 = tpu.memref_slice %arg7[%dma_start3A_152] : memref<1000000xf32, #tpu.memory_space<hbm>> -> memref<1000000xf32, #tpu.memory_space<hbm>>
    tpu.enqueue_indirect_dma source(%dma_start3A_153 : memref<1000000xf32, #tpu.memory_space<hbm>>) target(%dma_start3A_149 : memref<128xf32, #tpu.memory_space<vmem>>) offsets(%dma_start3A_151 : memref<128xi32, #tpu.memory_space<vmem>>) semaphore(%arg12 : memref<!tpu.dma_semaphore, #tpu.memory_space<semaphore_mem>>)
    %dma_start3A_154 = arith.constant 4 : i32
    %dma_start3A_155 = arith.constant 384 : i32
    %dma_start3A_156 = tpu.memref_slice %arg11[%dma_start3A_154, %dma_start3A_155] : memref<6x512xf32, #tpu.memory_space<vmem>> -> memref<1x128xf32, #tpu.memory_space<vmem>>
    %dma_start3A_157 = tpu.memref_squeeze %dma_start3A_156 : memref<1x128xf32, #tpu.memory_space<vmem>> -> memref<128xf32, #tpu.memory_space<vmem>>
    %dma_start3A_158 = arith.constant 384 : i32
    %dma_start3A_159 = tpu.memref_slice %arg10[%dma_start3A_158] : memref<512xi32, #tpu.memory_space<vmem>> -> memref<128xi32, #tpu.memory_space<vmem>>
    %dma_start3A_160 = arith.constant 0 : i32
    %dma_start3A_161 = tpu.memref_slice %arg7[%dma_start3A_160] : memref<1000000xf32, #tpu.memory_space<hbm>> -> memref<1000000xf32, #tpu.memory_space<hbm>>
    tpu.enqueue_indirect_dma source(%dma_start3A_161 : memref<1000000xf32, #tpu.memory_space<hbm>>) target(%dma_start3A_157 : memref<128xf32, #tpu.memory_space<vmem>>) offsets(%dma_start3A_159 : memref<128xi32, #tpu.memory_space<vmem>>) semaphore(%arg12 : memref<!tpu.dma_semaphore, #tpu.memory_space<semaphore_mem>>)
    %dma_start3A_162 = arith.constant 5 : i32
    %dma_start3A_163 = arith.constant 0 : i32
    %dma_start3A_164 = tpu.memref_slice %arg11[%dma_start3A_162, %dma_start3A_163] : memref<6x512xf32, #tpu.memory_space<vmem>> -> memref<1x128xf32, #tpu.memory_space<vmem>>
    %dma_start3A_165 = tpu.memref_squeeze %dma_start3A_164 : memref<1x128xf32, #tpu.memory_space<vmem>> -> memref<128xf32, #tpu.memory_space<vmem>>
    %dma_start3A_166 = arith.constant 0 : i32
    %dma_start3A_167 = tpu.memref_slice %arg10[%dma_start3A_166] : memref<512xi32, #tpu.memory_space<vmem>> -> memref<128xi32, #tpu.memory_space<vmem>>
    %dma_start3A_168 = arith.constant 0 : i32
    %dma_start3A_169 = tpu.memref_slice %arg8[%dma_start3A_168] : memref<1000000xf32, #tpu.memory_space<hbm>> -> memref<1000000xf32, #tpu.memory_space<hbm>>
    tpu.enqueue_indirect_dma source(%dma_start3A_169 : memref<1000000xf32, #tpu.memory_space<hbm>>) target(%dma_start3A_165 : memref<128xf32, #tpu.memory_space<vmem>>) offsets(%dma_start3A_167 : memref<128xi32, #tpu.memory_space<vmem>>) semaphore(%arg12 : memref<!tpu.dma_semaphore, #tpu.memory_space<semaphore_mem>>)
    %dma_start3A_170 = arith.constant 5 : i32
    %dma_start3A_171 = arith.constant 128 : i32
    %dma_start3A_172 = tpu.memref_slice %arg11[%dma_start3A_170, %dma_start3A_171] : memref<6x512xf32, #tpu.memory_space<vmem>> -> memref<1x128xf32, #tpu.memory_space<vmem>>
    %dma_start3A_173 = tpu.memref_squeeze %dma_start3A_172 : memref<1x128xf32, #tpu.memory_space<vmem>> -> memref<128xf32, #tpu.memory_space<vmem>>
    %dma_start3A_174 = arith.constant 128 : i32
    %dma_start3A_175 = tpu.memref_slice %arg10[%dma_start3A_174] : memref<512xi32, #tpu.memory_space<vmem>> -> memref<128xi32, #tpu.memory_space<vmem>>
    %dma_start3A_176 = arith.constant 0 : i32
    %dma_start3A_177 = tpu.memref_slice %arg8[%dma_start3A_176] : memref<1000000xf32, #tpu.memory_space<hbm>> -> memref<1000000xf32, #tpu.memory_space<hbm>>
    tpu.enqueue_indirect_dma source(%dma_start3A_177 : memref<1000000xf32, #tpu.memory_space<hbm>>) target(%dma_start3A_173 : memref<128xf32, #tpu.memory_space<vmem>>) offsets(%dma_start3A_175 : memref<128xi32, #tpu.memory_space<vmem>>) semaphore(%arg12 : memref<!tpu.dma_semaphore, #tpu.memory_space<semaphore_mem>>)
    %dma_start3A_178 = arith.constant 5 : i32
    %dma_start3A_179 = arith.constant 256 : i32
    %dma_start3A_180 = tpu.memref_slice %arg11[%dma_start3A_178, %dma_start3A_179] : memref<6x512xf32, #tpu.memory_space<vmem>> -> memref<1x128xf32, #tpu.memory_space<vmem>>
    %dma_start3A_181 = tpu.memref_squeeze %dma_start3A_180 : memref<1x128xf32, #tpu.memory_space<vmem>> -> memref<128xf32, #tpu.memory_space<vmem>>
    %dma_start3A_182 = arith.constant 256 : i32
    %dma_start3A_183 = tpu.memref_slice %arg10[%dma_start3A_182] : memref<512xi32, #tpu.memory_space<vmem>> -> memref<128xi32, #tpu.memory_space<vmem>>
    %dma_start3A_184 = arith.constant 0 : i32
    %dma_start3A_185 = tpu.memref_slice %arg8[%dma_start3A_184] : memref<1000000xf32, #tpu.memory_space<hbm>> -> memref<1000000xf32, #tpu.memory_space<hbm>>
    tpu.enqueue_indirect_dma source(%dma_start3A_185 : memref<1000000xf32, #tpu.memory_space<hbm>>) target(%dma_start3A_181 : memref<128xf32, #tpu.memory_space<vmem>>) offsets(%dma_start3A_183 : memref<128xi32, #tpu.memory_space<vmem>>) semaphore(%arg12 : memref<!tpu.dma_semaphore, #tpu.memory_space<semaphore_mem>>)
    %dma_start3A_186 = arith.constant 5 : i32
    %dma_start3A_187 = arith.constant 384 : i32
    %dma_start3A_188 = tpu.memref_slice %arg11[%dma_start3A_186, %dma_start3A_187] : memref<6x512xf32, #tpu.memory_space<vmem>> -> memref<1x128xf32, #tpu.memory_space<vmem>>
    %dma_start3A_189 = tpu.memref_squeeze %dma_start3A_188 : memref<1x128xf32, #tpu.memory_space<vmem>> -> memref<128xf32, #tpu.memory_space<vmem>>
    %dma_start3A_190 = arith.constant 384 : i32
    %dma_start3A_191 = tpu.memref_slice %arg10[%dma_start3A_190] : memref<512xi32, #tpu.memory_space<vmem>> -> memref<128xi32, #tpu.memory_space<vmem>>
    %dma_start3A_192 = arith.constant 0 : i32
    %dma_start3A_193 = tpu.memref_slice %arg8[%dma_start3A_192] : memref<1000000xf32, #tpu.memory_space<hbm>> -> memref<1000000xf32, #tpu.memory_space<hbm>>
    tpu.enqueue_indirect_dma source(%dma_start3A_193 : memref<1000000xf32, #tpu.memory_space<hbm>>) target(%dma_start3A_189 : memref<128xf32, #tpu.memory_space<vmem>>) offsets(%dma_start3A_191 : memref<128xi32, #tpu.memory_space<vmem>>) semaphore(%arg12 : memref<!tpu.dma_semaphore, #tpu.memory_space<semaphore_mem>>)
    %dma_wait3A = arith.constant 0 : i32
    %dma_wait3A_194 = arith.constant 0 : i32
    %dma_wait3A_195 = tpu.memref_slice %arg11[%dma_wait3A, %dma_wait3A_194] : memref<6x512xf32, #tpu.memory_space<vmem>> -> memref<1x128xf32, #tpu.memory_space<vmem>>
    %dma_wait3A_196 = tpu.memref_squeeze %dma_wait3A_195 : memref<1x128xf32, #tpu.memory_space<vmem>> -> memref<128xf32, #tpu.memory_space<vmem>>
    %dma_wait3A_197 = arith.constant 0 : i32
    %dma_wait3A_198 = tpu.memref_slice %arg10[%dma_wait3A_197] : memref<512xi32, #tpu.memory_space<vmem>> -> memref<128xi32, #tpu.memory_space<vmem>>
    %dma_wait3A_199 = arith.constant 0 : i32
    %dma_wait3A_200 = tpu.memref_slice %arg3[%dma_wait3A_199] : memref<1000000xf32, #tpu.memory_space<hbm>> -> memref<1000000xf32, #tpu.memory_space<hbm>>
    tpu.wait_indirect_dma semaphore(%arg12 : memref<!tpu.dma_semaphore, #tpu.memory_space<semaphore_mem>>) src(%dma_wait3A_200 : memref<1000000xf32, #tpu.memory_space<hbm>>) dst(%dma_wait3A_196 : memref<128xf32, #tpu.memory_space<vmem>>)
    %dma_wait3A_201 = arith.constant 0 : i32
    %dma_wait3A_202 = arith.constant 128 : i32
    %dma_wait3A_203 = tpu.memref_slice %arg11[%dma_wait3A_201, %dma_wait3A_202] : memref<6x512xf32, #tpu.memory_space<vmem>> -> memref<1x128xf32, #tpu.memory_space<vmem>>
    %dma_wait3A_204 = tpu.memref_squeeze %dma_wait3A_203 : memref<1x128xf32, #tpu.memory_space<vmem>> -> memref<128xf32, #tpu.memory_space<vmem>>
    %dma_wait3A_205 = arith.constant 128 : i32
    %dma_wait3A_206 = tpu.memref_slice %arg10[%dma_wait3A_205] : memref<512xi32, #tpu.memory_space<vmem>> -> memref<128xi32, #tpu.memory_space<vmem>>
    %dma_wait3A_207 = arith.constant 0 : i32
    %dma_wait3A_208 = tpu.memref_slice %arg3[%dma_wait3A_207] : memref<1000000xf32, #tpu.memory_space<hbm>> -> memref<1000000xf32, #tpu.memory_space<hbm>>
    tpu.wait_indirect_dma semaphore(%arg12 : memref<!tpu.dma_semaphore, #tpu.memory_space<semaphore_mem>>) src(%dma_wait3A_208 : memref<1000000xf32, #tpu.memory_space<hbm>>) dst(%dma_wait3A_204 : memref<128xf32, #tpu.memory_space<vmem>>)
    %dma_wait3A_209 = arith.constant 0 : i32
    %dma_wait3A_210 = arith.constant 256 : i32
    %dma_wait3A_211 = tpu.memref_slice %arg11[%dma_wait3A_209, %dma_wait3A_210] : memref<6x512xf32, #tpu.memory_space<vmem>> -> memref<1x128xf32, #tpu.memory_space<vmem>>
    %dma_wait3A_212 = tpu.memref_squeeze %dma_wait3A_211 : memref<1x128xf32, #tpu.memory_space<vmem>> -> memref<128xf32, #tpu.memory_space<vmem>>
    %dma_wait3A_213 = arith.constant 256 : i32
    %dma_wait3A_214 = tpu.memref_slice %arg10[%dma_wait3A_213] : memref<512xi32, #tpu.memory_space<vmem>> -> memref<128xi32, #tpu.memory_space<vmem>>
    %dma_wait3A_215 = arith.constant 0 : i32
    %dma_wait3A_216 = tpu.memref_slice %arg3[%dma_wait3A_215] : memref<1000000xf32, #tpu.memory_space<hbm>> -> memref<1000000xf32, #tpu.memory_space<hbm>>
    tpu.wait_indirect_dma semaphore(%arg12 : memref<!tpu.dma_semaphore, #tpu.memory_space<semaphore_mem>>) src(%dma_wait3A_216 : memref<1000000xf32, #tpu.memory_space<hbm>>) dst(%dma_wait3A_212 : memref<128xf32, #tpu.memory_space<vmem>>)
    %dma_wait3A_217 = arith.constant 0 : i32
    %dma_wait3A_218 = arith.constant 384 : i32
    %dma_wait3A_219 = tpu.memref_slice %arg11[%dma_wait3A_217, %dma_wait3A_218] : memref<6x512xf32, #tpu.memory_space<vmem>> -> memref<1x128xf32, #tpu.memory_space<vmem>>
    %dma_wait3A_220 = tpu.memref_squeeze %dma_wait3A_219 : memref<1x128xf32, #tpu.memory_space<vmem>> -> memref<128xf32, #tpu.memory_space<vmem>>
    %dma_wait3A_221 = arith.constant 384 : i32
    %dma_wait3A_222 = tpu.memref_slice %arg10[%dma_wait3A_221] : memref<512xi32, #tpu.memory_space<vmem>> -> memref<128xi32, #tpu.memory_space<vmem>>
    %dma_wait3A_223 = arith.constant 0 : i32
    %dma_wait3A_224 = tpu.memref_slice %arg3[%dma_wait3A_223] : memref<1000000xf32, #tpu.memory_space<hbm>> -> memref<1000000xf32, #tpu.memory_space<hbm>>
    tpu.wait_indirect_dma semaphore(%arg12 : memref<!tpu.dma_semaphore, #tpu.memory_space<semaphore_mem>>) src(%dma_wait3A_224 : memref<1000000xf32, #tpu.memory_space<hbm>>) dst(%dma_wait3A_220 : memref<128xf32, #tpu.memory_space<vmem>>)
    %dma_wait3A_225 = arith.constant 1 : i32
    %dma_wait3A_226 = arith.constant 0 : i32
    %dma_wait3A_227 = tpu.memref_slice %arg11[%dma_wait3A_225, %dma_wait3A_226] : memref<6x512xf32, #tpu.memory_space<vmem>> -> memref<1x128xf32, #tpu.memory_space<vmem>>
    %dma_wait3A_228 = tpu.memref_squeeze %dma_wait3A_227 : memref<1x128xf32, #tpu.memory_space<vmem>> -> memref<128xf32, #tpu.memory_space<vmem>>
    %dma_wait3A_229 = arith.constant 0 : i32
    %dma_wait3A_230 = tpu.memref_slice %arg10[%dma_wait3A_229] : memref<512xi32, #tpu.memory_space<vmem>> -> memref<128xi32, #tpu.memory_space<vmem>>
    %dma_wait3A_231 = arith.constant 0 : i32
    %dma_wait3A_232 = tpu.memref_slice %arg4[%dma_wait3A_231] : memref<1000000xf32, #tpu.memory_space<hbm>> -> memref<1000000xf32, #tpu.memory_space<hbm>>
    tpu.wait_indirect_dma semaphore(%arg12 : memref<!tpu.dma_semaphore, #tpu.memory_space<semaphore_mem>>) src(%dma_wait3A_232 : memref<1000000xf32, #tpu.memory_space<hbm>>) dst(%dma_wait3A_228 : memref<128xf32, #tpu.memory_space<vmem>>)
    %dma_wait3A_233 = arith.constant 1 : i32
    %dma_wait3A_234 = arith.constant 128 : i32
    %dma_wait3A_235 = tpu.memref_slice %arg11[%dma_wait3A_233, %dma_wait3A_234] : memref<6x512xf32, #tpu.memory_space<vmem>> -> memref<1x128xf32, #tpu.memory_space<vmem>>
    %dma_wait3A_236 = tpu.memref_squeeze %dma_wait3A_235 : memref<1x128xf32, #tpu.memory_space<vmem>> -> memref<128xf32, #tpu.memory_space<vmem>>
    %dma_wait3A_237 = arith.constant 128 : i32
    %dma_wait3A_238 = tpu.memref_slice %arg10[%dma_wait3A_237] : memref<512xi32, #tpu.memory_space<vmem>> -> memref<128xi32, #tpu.memory_space<vmem>>
    %dma_wait3A_239 = arith.constant 0 : i32
    %dma_wait3A_240 = tpu.memref_slice %arg4[%dma_wait3A_239] : memref<1000000xf32, #tpu.memory_space<hbm>> -> memref<1000000xf32, #tpu.memory_space<hbm>>
    tpu.wait_indirect_dma semaphore(%arg12 : memref<!tpu.dma_semaphore, #tpu.memory_space<semaphore_mem>>) src(%dma_wait3A_240 : memref<1000000xf32, #tpu.memory_space<hbm>>) dst(%dma_wait3A_236 : memref<128xf32, #tpu.memory_space<vmem>>)
    %dma_wait3A_241 = arith.constant 1 : i32
    %dma_wait3A_242 = arith.constant 256 : i32
    %dma_wait3A_243 = tpu.memref_slice %arg11[%dma_wait3A_241, %dma_wait3A_242] : memref<6x512xf32, #tpu.memory_space<vmem>> -> memref<1x128xf32, #tpu.memory_space<vmem>>
    %dma_wait3A_244 = tpu.memref_squeeze %dma_wait3A_243 : memref<1x128xf32, #tpu.memory_space<vmem>> -> memref<128xf32, #tpu.memory_space<vmem>>
    %dma_wait3A_245 = arith.constant 256 : i32
    %dma_wait3A_246 = tpu.memref_slice %arg10[%dma_wait3A_245] : memref<512xi32, #tpu.memory_space<vmem>> -> memref<128xi32, #tpu.memory_space<vmem>>
    %dma_wait3A_247 = arith.constant 0 : i32
    %dma_wait3A_248 = tpu.memref_slice %arg4[%dma_wait3A_247] : memref<1000000xf32, #tpu.memory_space<hbm>> -> memref<1000000xf32, #tpu.memory_space<hbm>>
    tpu.wait_indirect_dma semaphore(%arg12 : memref<!tpu.dma_semaphore, #tpu.memory_space<semaphore_mem>>) src(%dma_wait3A_248 : memref<1000000xf32, #tpu.memory_space<hbm>>) dst(%dma_wait3A_244 : memref<128xf32, #tpu.memory_space<vmem>>)
    %dma_wait3A_249 = arith.constant 1 : i32
    %dma_wait3A_250 = arith.constant 384 : i32
    %dma_wait3A_251 = tpu.memref_slice %arg11[%dma_wait3A_249, %dma_wait3A_250] : memref<6x512xf32, #tpu.memory_space<vmem>> -> memref<1x128xf32, #tpu.memory_space<vmem>>
    %dma_wait3A_252 = tpu.memref_squeeze %dma_wait3A_251 : memref<1x128xf32, #tpu.memory_space<vmem>> -> memref<128xf32, #tpu.memory_space<vmem>>
    %dma_wait3A_253 = arith.constant 384 : i32
    %dma_wait3A_254 = tpu.memref_slice %arg10[%dma_wait3A_253] : memref<512xi32, #tpu.memory_space<vmem>> -> memref<128xi32, #tpu.memory_space<vmem>>
    %dma_wait3A_255 = arith.constant 0 : i32
    %dma_wait3A_256 = tpu.memref_slice %arg4[%dma_wait3A_255] : memref<1000000xf32, #tpu.memory_space<hbm>> -> memref<1000000xf32, #tpu.memory_space<hbm>>
    tpu.wait_indirect_dma semaphore(%arg12 : memref<!tpu.dma_semaphore, #tpu.memory_space<semaphore_mem>>) src(%dma_wait3A_256 : memref<1000000xf32, #tpu.memory_space<hbm>>) dst(%dma_wait3A_252 : memref<128xf32, #tpu.memory_space<vmem>>)
    %dma_wait3A_257 = arith.constant 2 : i32
    %dma_wait3A_258 = arith.constant 0 : i32
    %dma_wait3A_259 = tpu.memref_slice %arg11[%dma_wait3A_257, %dma_wait3A_258] : memref<6x512xf32, #tpu.memory_space<vmem>> -> memref<1x128xf32, #tpu.memory_space<vmem>>
    %dma_wait3A_260 = tpu.memref_squeeze %dma_wait3A_259 : memref<1x128xf32, #tpu.memory_space<vmem>> -> memref<128xf32, #tpu.memory_space<vmem>>
    %dma_wait3A_261 = arith.constant 0 : i32
    %dma_wait3A_262 = tpu.memref_slice %arg10[%dma_wait3A_261] : memref<512xi32, #tpu.memory_space<vmem>> -> memref<128xi32, #tpu.memory_space<vmem>>
    %dma_wait3A_263 = arith.constant 0 : i32
    %dma_wait3A_264 = tpu.memref_slice %arg5[%dma_wait3A_263] : memref<1000000xf32, #tpu.memory_space<hbm>> -> memref<1000000xf32, #tpu.memory_space<hbm>>
    tpu.wait_indirect_dma semaphore(%arg12 : memref<!tpu.dma_semaphore, #tpu.memory_space<semaphore_mem>>) src(%dma_wait3A_264 : memref<1000000xf32, #tpu.memory_space<hbm>>) dst(%dma_wait3A_260 : memref<128xf32, #tpu.memory_space<vmem>>)
    %dma_wait3A_265 = arith.constant 2 : i32
    %dma_wait3A_266 = arith.constant 128 : i32
    %dma_wait3A_267 = tpu.memref_slice %arg11[%dma_wait3A_265, %dma_wait3A_266] : memref<6x512xf32, #tpu.memory_space<vmem>> -> memref<1x128xf32, #tpu.memory_space<vmem>>
    %dma_wait3A_268 = tpu.memref_squeeze %dma_wait3A_267 : memref<1x128xf32, #tpu.memory_space<vmem>> -> memref<128xf32, #tpu.memory_space<vmem>>
    %dma_wait3A_269 = arith.constant 128 : i32
    %dma_wait3A_270 = tpu.memref_slice %arg10[%dma_wait3A_269] : memref<512xi32, #tpu.memory_space<vmem>> -> memref<128xi32, #tpu.memory_space<vmem>>
    %dma_wait3A_271 = arith.constant 0 : i32
    %dma_wait3A_272 = tpu.memref_slice %arg5[%dma_wait3A_271] : memref<1000000xf32, #tpu.memory_space<hbm>> -> memref<1000000xf32, #tpu.memory_space<hbm>>
    tpu.wait_indirect_dma semaphore(%arg12 : memref<!tpu.dma_semaphore, #tpu.memory_space<semaphore_mem>>) src(%dma_wait3A_272 : memref<1000000xf32, #tpu.memory_space<hbm>>) dst(%dma_wait3A_268 : memref<128xf32, #tpu.memory_space<vmem>>)
    %dma_wait3A_273 = arith.constant 2 : i32
    %dma_wait3A_274 = arith.constant 256 : i32
    %dma_wait3A_275 = tpu.memref_slice %arg11[%dma_wait3A_273, %dma_wait3A_274] : memref<6x512xf32, #tpu.memory_space<vmem>> -> memref<1x128xf32, #tpu.memory_space<vmem>>
    %dma_wait3A_276 = tpu.memref_squeeze %dma_wait3A_275 : memref<1x128xf32, #tpu.memory_space<vmem>> -> memref<128xf32, #tpu.memory_space<vmem>>
    %dma_wait3A_277 = arith.constant 256 : i32
    %dma_wait3A_278 = tpu.memref_slice %arg10[%dma_wait3A_277] : memref<512xi32, #tpu.memory_space<vmem>> -> memref<128xi32, #tpu.memory_space<vmem>>
    %dma_wait3A_279 = arith.constant 0 : i32
    %dma_wait3A_280 = tpu.memref_slice %arg5[%dma_wait3A_279] : memref<1000000xf32, #tpu.memory_space<hbm>> -> memref<1000000xf32, #tpu.memory_space<hbm>>
    tpu.wait_indirect_dma semaphore(%arg12 : memref<!tpu.dma_semaphore, #tpu.memory_space<semaphore_mem>>) src(%dma_wait3A_280 : memref<1000000xf32, #tpu.memory_space<hbm>>) dst(%dma_wait3A_276 : memref<128xf32, #tpu.memory_space<vmem>>)
    %dma_wait3A_281 = arith.constant 2 : i32
    %dma_wait3A_282 = arith.constant 384 : i32
    %dma_wait3A_283 = tpu.memref_slice %arg11[%dma_wait3A_281, %dma_wait3A_282] : memref<6x512xf32, #tpu.memory_space<vmem>> -> memref<1x128xf32, #tpu.memory_space<vmem>>
    %dma_wait3A_284 = tpu.memref_squeeze %dma_wait3A_283 : memref<1x128xf32, #tpu.memory_space<vmem>> -> memref<128xf32, #tpu.memory_space<vmem>>
    %dma_wait3A_285 = arith.constant 384 : i32
    %dma_wait3A_286 = tpu.memref_slice %arg10[%dma_wait3A_285] : memref<512xi32, #tpu.memory_space<vmem>> -> memref<128xi32, #tpu.memory_space<vmem>>
    %dma_wait3A_287 = arith.constant 0 : i32
    %dma_wait3A_288 = tpu.memref_slice %arg5[%dma_wait3A_287] : memref<1000000xf32, #tpu.memory_space<hbm>> -> memref<1000000xf32, #tpu.memory_space<hbm>>
    tpu.wait_indirect_dma semaphore(%arg12 : memref<!tpu.dma_semaphore, #tpu.memory_space<semaphore_mem>>) src(%dma_wait3A_288 : memref<1000000xf32, #tpu.memory_space<hbm>>) dst(%dma_wait3A_284 : memref<128xf32, #tpu.memory_space<vmem>>)
    %dma_wait3A_289 = arith.constant 3 : i32
    %dma_wait3A_290 = arith.constant 0 : i32
    %dma_wait3A_291 = tpu.memref_slice %arg11[%dma_wait3A_289, %dma_wait3A_290] : memref<6x512xf32, #tpu.memory_space<vmem>> -> memref<1x128xf32, #tpu.memory_space<vmem>>
    %dma_wait3A_292 = tpu.memref_squeeze %dma_wait3A_291 : memref<1x128xf32, #tpu.memory_space<vmem>> -> memref<128xf32, #tpu.memory_space<vmem>>
    %dma_wait3A_293 = arith.constant 0 : i32
    %dma_wait3A_294 = tpu.memref_slice %arg10[%dma_wait3A_293] : memref<512xi32, #tpu.memory_space<vmem>> -> memref<128xi32, #tpu.memory_space<vmem>>
    %dma_wait3A_295 = arith.constant 0 : i32
    %dma_wait3A_296 = tpu.memref_slice %arg6[%dma_wait3A_295] : memref<1000000xf32, #tpu.memory_space<hbm>> -> memref<1000000xf32, #tpu.memory_space<hbm>>
    tpu.wait_indirect_dma semaphore(%arg12 : memref<!tpu.dma_semaphore, #tpu.memory_space<semaphore_mem>>) src(%dma_wait3A_296 : memref<1000000xf32, #tpu.memory_space<hbm>>) dst(%dma_wait3A_292 : memref<128xf32, #tpu.memory_space<vmem>>)
    %dma_wait3A_297 = arith.constant 3 : i32
    %dma_wait3A_298 = arith.constant 128 : i32
    %dma_wait3A_299 = tpu.memref_slice %arg11[%dma_wait3A_297, %dma_wait3A_298] : memref<6x512xf32, #tpu.memory_space<vmem>> -> memref<1x128xf32, #tpu.memory_space<vmem>>
    %dma_wait3A_300 = tpu.memref_squeeze %dma_wait3A_299 : memref<1x128xf32, #tpu.memory_space<vmem>> -> memref<128xf32, #tpu.memory_space<vmem>>
    %dma_wait3A_301 = arith.constant 128 : i32
    %dma_wait3A_302 = tpu.memref_slice %arg10[%dma_wait3A_301] : memref<512xi32, #tpu.memory_space<vmem>> -> memref<128xi32, #tpu.memory_space<vmem>>
    %dma_wait3A_303 = arith.constant 0 : i32
    %dma_wait3A_304 = tpu.memref_slice %arg6[%dma_wait3A_303] : memref<1000000xf32, #tpu.memory_space<hbm>> -> memref<1000000xf32, #tpu.memory_space<hbm>>
    tpu.wait_indirect_dma semaphore(%arg12 : memref<!tpu.dma_semaphore, #tpu.memory_space<semaphore_mem>>) src(%dma_wait3A_304 : memref<1000000xf32, #tpu.memory_space<hbm>>) dst(%dma_wait3A_300 : memref<128xf32, #tpu.memory_space<vmem>>)
    %dma_wait3A_305 = arith.constant 3 : i32
    %dma_wait3A_306 = arith.constant 256 : i32
    %dma_wait3A_307 = tpu.memref_slice %arg11[%dma_wait3A_305, %dma_wait3A_306] : memref<6x512xf32, #tpu.memory_space<vmem>> -> memref<1x128xf32, #tpu.memory_space<vmem>>
    %dma_wait3A_308 = tpu.memref_squeeze %dma_wait3A_307 : memref<1x128xf32, #tpu.memory_space<vmem>> -> memref<128xf32, #tpu.memory_space<vmem>>
    %dma_wait3A_309 = arith.constant 256 : i32
    %dma_wait3A_310 = tpu.memref_slice %arg10[%dma_wait3A_309] : memref<512xi32, #tpu.memory_space<vmem>> -> memref<128xi32, #tpu.memory_space<vmem>>
    %dma_wait3A_311 = arith.constant 0 : i32
    %dma_wait3A_312 = tpu.memref_slice %arg6[%dma_wait3A_311] : memref<1000000xf32, #tpu.memory_space<hbm>> -> memref<1000000xf32, #tpu.memory_space<hbm>>
    tpu.wait_indirect_dma semaphore(%arg12 : memref<!tpu.dma_semaphore, #tpu.memory_space<semaphore_mem>>) src(%dma_wait3A_312 : memref<1000000xf32, #tpu.memory_space<hbm>>) dst(%dma_wait3A_308 : memref<128xf32, #tpu.memory_space<vmem>>)
    %dma_wait3A_313 = arith.constant 3 : i32
    %dma_wait3A_314 = arith.constant 384 : i32
    %dma_wait3A_315 = tpu.memref_slice %arg11[%dma_wait3A_313, %dma_wait3A_314] : memref<6x512xf32, #tpu.memory_space<vmem>> -> memref<1x128xf32, #tpu.memory_space<vmem>>
    %dma_wait3A_316 = tpu.memref_squeeze %dma_wait3A_315 : memref<1x128xf32, #tpu.memory_space<vmem>> -> memref<128xf32, #tpu.memory_space<vmem>>
    %dma_wait3A_317 = arith.constant 384 : i32
    %dma_wait3A_318 = tpu.memref_slice %arg10[%dma_wait3A_317] : memref<512xi32, #tpu.memory_space<vmem>> -> memref<128xi32, #tpu.memory_space<vmem>>
    %dma_wait3A_319 = arith.constant 0 : i32
    %dma_wait3A_320 = tpu.memref_slice %arg6[%dma_wait3A_319] : memref<1000000xf32, #tpu.memory_space<hbm>> -> memref<1000000xf32, #tpu.memory_space<hbm>>
    tpu.wait_indirect_dma semaphore(%arg12 : memref<!tpu.dma_semaphore, #tpu.memory_space<semaphore_mem>>) src(%dma_wait3A_320 : memref<1000000xf32, #tpu.memory_space<hbm>>) dst(%dma_wait3A_316 : memref<128xf32, #tpu.memory_space<vmem>>)
    %dma_wait3A_321 = arith.constant 4 : i32
    %dma_wait3A_322 = arith.constant 0 : i32
    %dma_wait3A_323 = tpu.memref_slice %arg11[%dma_wait3A_321, %dma_wait3A_322] : memref<6x512xf32, #tpu.memory_space<vmem>> -> memref<1x128xf32, #tpu.memory_space<vmem>>
    %dma_wait3A_324 = tpu.memref_squeeze %dma_wait3A_323 : memref<1x128xf32, #tpu.memory_space<vmem>> -> memref<128xf32, #tpu.memory_space<vmem>>
    %dma_wait3A_325 = arith.constant 0 : i32
    %dma_wait3A_326 = tpu.memref_slice %arg10[%dma_wait3A_325] : memref<512xi32, #tpu.memory_space<vmem>> -> memref<128xi32, #tpu.memory_space<vmem>>
    %dma_wait3A_327 = arith.constant 0 : i32
    %dma_wait3A_328 = tpu.memref_slice %arg7[%dma_wait3A_327] : memref<1000000xf32, #tpu.memory_space<hbm>> -> memref<1000000xf32, #tpu.memory_space<hbm>>
    tpu.wait_indirect_dma semaphore(%arg12 : memref<!tpu.dma_semaphore, #tpu.memory_space<semaphore_mem>>) src(%dma_wait3A_328 : memref<1000000xf32, #tpu.memory_space<hbm>>) dst(%dma_wait3A_324 : memref<128xf32, #tpu.memory_space<vmem>>)
    %dma_wait3A_329 = arith.constant 4 : i32
    %dma_wait3A_330 = arith.constant 128 : i32
    %dma_wait3A_331 = tpu.memref_slice %arg11[%dma_wait3A_329, %dma_wait3A_330] : memref<6x512xf32, #tpu.memory_space<vmem>> -> memref<1x128xf32, #tpu.memory_space<vmem>>
    %dma_wait3A_332 = tpu.memref_squeeze %dma_wait3A_331 : memref<1x128xf32, #tpu.memory_space<vmem>> -> memref<128xf32, #tpu.memory_space<vmem>>
    %dma_wait3A_333 = arith.constant 128 : i32
    %dma_wait3A_334 = tpu.memref_slice %arg10[%dma_wait3A_333] : memref<512xi32, #tpu.memory_space<vmem>> -> memref<128xi32, #tpu.memory_space<vmem>>
    %dma_wait3A_335 = arith.constant 0 : i32
    %dma_wait3A_336 = tpu.memref_slice %arg7[%dma_wait3A_335] : memref<1000000xf32, #tpu.memory_space<hbm>> -> memref<1000000xf32, #tpu.memory_space<hbm>>
    tpu.wait_indirect_dma semaphore(%arg12 : memref<!tpu.dma_semaphore, #tpu.memory_space<semaphore_mem>>) src(%dma_wait3A_336 : memref<1000000xf32, #tpu.memory_space<hbm>>) dst(%dma_wait3A_332 : memref<128xf32, #tpu.memory_space<vmem>>)
    %dma_wait3A_337 = arith.constant 4 : i32
    %dma_wait3A_338 = arith.constant 256 : i32
    %dma_wait3A_339 = tpu.memref_slice %arg11[%dma_wait3A_337, %dma_wait3A_338] : memref<6x512xf32, #tpu.memory_space<vmem>> -> memref<1x128xf32, #tpu.memory_space<vmem>>
    %dma_wait3A_340 = tpu.memref_squeeze %dma_wait3A_339 : memref<1x128xf32, #tpu.memory_space<vmem>> -> memref<128xf32, #tpu.memory_space<vmem>>
    %dma_wait3A_341 = arith.constant 256 : i32
    %dma_wait3A_342 = tpu.memref_slice %arg10[%dma_wait3A_341] : memref<512xi32, #tpu.memory_space<vmem>> -> memref<128xi32, #tpu.memory_space<vmem>>
    %dma_wait3A_343 = arith.constant 0 : i32
    %dma_wait3A_344 = tpu.memref_slice %arg7[%dma_wait3A_343] : memref<1000000xf32, #tpu.memory_space<hbm>> -> memref<1000000xf32, #tpu.memory_space<hbm>>
    tpu.wait_indirect_dma semaphore(%arg12 : memref<!tpu.dma_semaphore, #tpu.memory_space<semaphore_mem>>) src(%dma_wait3A_344 : memref<1000000xf32, #tpu.memory_space<hbm>>) dst(%dma_wait3A_340 : memref<128xf32, #tpu.memory_space<vmem>>)
    %dma_wait3A_345 = arith.constant 4 : i32
    %dma_wait3A_346 = arith.constant 384 : i32
    %dma_wait3A_347 = tpu.memref_slice %arg11[%dma_wait3A_345, %dma_wait3A_346] : memref<6x512xf32, #tpu.memory_space<vmem>> -> memref<1x128xf32, #tpu.memory_space<vmem>>
    %dma_wait3A_348 = tpu.memref_squeeze %dma_wait3A_347 : memref<1x128xf32, #tpu.memory_space<vmem>> -> memref<128xf32, #tpu.memory_space<vmem>>
    %dma_wait3A_349 = arith.constant 384 : i32
    %dma_wait3A_350 = tpu.memref_slice %arg10[%dma_wait3A_349] : memref<512xi32, #tpu.memory_space<vmem>> -> memref<128xi32, #tpu.memory_space<vmem>>
    %dma_wait3A_351 = arith.constant 0 : i32
    %dma_wait3A_352 = tpu.memref_slice %arg7[%dma_wait3A_351] : memref<1000000xf32, #tpu.memory_space<hbm>> -> memref<1000000xf32, #tpu.memory_space<hbm>>
    tpu.wait_indirect_dma semaphore(%arg12 : memref<!tpu.dma_semaphore, #tpu.memory_space<semaphore_mem>>) src(%dma_wait3A_352 : memref<1000000xf32, #tpu.memory_space<hbm>>) dst(%dma_wait3A_348 : memref<128xf32, #tpu.memory_space<vmem>>)
    %dma_wait3A_353 = arith.constant 5 : i32
    %dma_wait3A_354 = arith.constant 0 : i32
    %dma_wait3A_355 = tpu.memref_slice %arg11[%dma_wait3A_353, %dma_wait3A_354] : memref<6x512xf32, #tpu.memory_space<vmem>> -> memref<1x128xf32, #tpu.memory_space<vmem>>
    %dma_wait3A_356 = tpu.memref_squeeze %dma_wait3A_355 : memref<1x128xf32, #tpu.memory_space<vmem>> -> memref<128xf32, #tpu.memory_space<vmem>>
    %dma_wait3A_357 = arith.constant 0 : i32
    %dma_wait3A_358 = tpu.memref_slice %arg10[%dma_wait3A_357] : memref<512xi32, #tpu.memory_space<vmem>> -> memref<128xi32, #tpu.memory_space<vmem>>
    %dma_wait3A_359 = arith.constant 0 : i32
    %dma_wait3A_360 = tpu.memref_slice %arg8[%dma_wait3A_359] : memref<1000000xf32, #tpu.memory_space<hbm>> -> memref<1000000xf32, #tpu.memory_space<hbm>>
    tpu.wait_indirect_dma semaphore(%arg12 : memref<!tpu.dma_semaphore, #tpu.memory_space<semaphore_mem>>) src(%dma_wait3A_360 : memref<1000000xf32, #tpu.memory_space<hbm>>) dst(%dma_wait3A_356 : memref<128xf32, #tpu.memory_space<vmem>>)
    %dma_wait3A_361 = arith.constant 5 : i32
    %dma_wait3A_362 = arith.constant 128 : i32
    %dma_wait3A_363 = tpu.memref_slice %arg11[%dma_wait3A_361, %dma_wait3A_362] : memref<6x512xf32, #tpu.memory_space<vmem>> -> memref<1x128xf32, #tpu.memory_space<vmem>>
    %dma_wait3A_364 = tpu.memref_squeeze %dma_wait3A_363 : memref<1x128xf32, #tpu.memory_space<vmem>> -> memref<128xf32, #tpu.memory_space<vmem>>
    %dma_wait3A_365 = arith.constant 128 : i32
    %dma_wait3A_366 = tpu.memref_slice %arg10[%dma_wait3A_365] : memref<512xi32, #tpu.memory_space<vmem>> -> memref<128xi32, #tpu.memory_space<vmem>>
    %dma_wait3A_367 = arith.constant 0 : i32
    %dma_wait3A_368 = tpu.memref_slice %arg8[%dma_wait3A_367] : memref<1000000xf32, #tpu.memory_space<hbm>> -> memref<1000000xf32, #tpu.memory_space<hbm>>
    tpu.wait_indirect_dma semaphore(%arg12 : memref<!tpu.dma_semaphore, #tpu.memory_space<semaphore_mem>>) src(%dma_wait3A_368 : memref<1000000xf32, #tpu.memory_space<hbm>>) dst(%dma_wait3A_364 : memref<128xf32, #tpu.memory_space<vmem>>)
    %dma_wait3A_369 = arith.constant 5 : i32
    %dma_wait3A_370 = arith.constant 256 : i32
    %dma_wait3A_371 = tpu.memref_slice %arg11[%dma_wait3A_369, %dma_wait3A_370] : memref<6x512xf32, #tpu.memory_space<vmem>> -> memref<1x128xf32, #tpu.memory_space<vmem>>
    %dma_wait3A_372 = tpu.memref_squeeze %dma_wait3A_371 : memref<1x128xf32, #tpu.memory_space<vmem>> -> memref<128xf32, #tpu.memory_space<vmem>>
    %dma_wait3A_373 = arith.constant 256 : i32
    %dma_wait3A_374 = tpu.memref_slice %arg10[%dma_wait3A_373] : memref<512xi32, #tpu.memory_space<vmem>> -> memref<128xi32, #tpu.memory_space<vmem>>
    %dma_wait3A_375 = arith.constant 0 : i32
    %dma_wait3A_376 = tpu.memref_slice %arg8[%dma_wait3A_375] : memref<1000000xf32, #tpu.memory_space<hbm>> -> memref<1000000xf32, #tpu.memory_space<hbm>>
    tpu.wait_indirect_dma semaphore(%arg12 : memref<!tpu.dma_semaphore, #tpu.memory_space<semaphore_mem>>) src(%dma_wait3A_376 : memref<1000000xf32, #tpu.memory_space<hbm>>) dst(%dma_wait3A_372 : memref<128xf32, #tpu.memory_space<vmem>>)
    %dma_wait3A_377 = arith.constant 5 : i32
    %dma_wait3A_378 = arith.constant 384 : i32
    %dma_wait3A_379 = tpu.memref_slice %arg11[%dma_wait3A_377, %dma_wait3A_378] : memref<6x512xf32, #tpu.memory_space<vmem>> -> memref<1x128xf32, #tpu.memory_space<vmem>>
    %dma_wait3A_380 = tpu.memref_squeeze %dma_wait3A_379 : memref<1x128xf32, #tpu.memory_space<vmem>> -> memref<128xf32, #tpu.memory_space<vmem>>
    %dma_wait3A_381 = arith.constant 384 : i32
    %dma_wait3A_382 = tpu.memref_slice %arg10[%dma_wait3A_381] : memref<512xi32, #tpu.memory_space<vmem>> -> memref<128xi32, #tpu.memory_space<vmem>>
    %dma_wait3A_383 = arith.constant 0 : i32
    %dma_wait3A_384 = tpu.memref_slice %arg8[%dma_wait3A_383] : memref<1000000xf32, #tpu.memory_space<hbm>> -> memref<1000000xf32, #tpu.memory_space<hbm>>
    tpu.wait_indirect_dma semaphore(%arg12 : memref<!tpu.dma_semaphore, #tpu.memory_space<semaphore_mem>>) src(%dma_wait3A_384 : memref<1000000xf32, #tpu.memory_space<hbm>>) dst(%dma_wait3A_380 : memref<128xf32, #tpu.memory_space<vmem>>)
    %run_scoped3A = arith.constant 0 : i32
    %run_scoped3A_385 = arith.constant 0 : i32
    "tpu.region"() ({
      %run_scoped3A_396 = tpu.sem_alloc : memref<!tpu.dma_semaphore, #tpu.memory_space<semaphore_mem>>
      %dma_start3A_397 = arith.constant 0 : i32
      %dma_start3A_398 = tpu.memref_slice %arg11[%run_scoped3A, %dma_start3A_397] : memref<6x512xf32, #tpu.memory_space<vmem>> -> memref<1x512xf32, #tpu.memory_space<vmem>>
      %dma_start3A_399 = tpu.memref_squeeze %dma_start3A_398 : memref<1x512xf32, #tpu.memory_space<vmem>> -> memref<512xf32, #tpu.memory_space<vmem>>
      %dma_start3A_400 = tpu.memref_slice %arg9[%run_scoped3A_385, %mul3A_2] : memref<6x16384xf32, #tpu.memory_space<hbm>> -> memref<1x512xf32, #tpu.memory_space<hbm>>
      %dma_start3A_401 = tpu.memref_squeeze %dma_start3A_400 : memref<1x512xf32, #tpu.memory_space<hbm>> -> memref<512xf32, #tpu.memory_space<hbm>>
      %dma_start3A_402 = tpu.memref_slice %arg9[%run_scoped3A_385, %mul3A_2] : memref<6x16384xf32, #tpu.memory_space<hbm>> -> memref<1x512xf32, #tpu.memory_space<hbm>>
      %dma_start3A_403 = tpu.memref_squeeze %dma_start3A_402 : memref<1x512xf32, #tpu.memory_space<hbm>> -> memref<512xf32, #tpu.memory_space<hbm>>
      %dma_start3A_404 = arith.constant 0 : i32
      %dma_start3A_405 = tpu.memref_slice %arg11[%run_scoped3A, %dma_start3A_404] : memref<6x512xf32, #tpu.memory_space<vmem>> -> memref<1x512xf32, #tpu.memory_space<vmem>>
      %dma_start3A_406 = tpu.memref_squeeze %dma_start3A_405 : memref<1x512xf32, #tpu.memory_space<vmem>> -> memref<512xf32, #tpu.memory_space<vmem>>
      tpu.enqueue_dma source(%dma_start3A_406 : memref<512xf32, #tpu.memory_space<vmem>>) target(%dma_start3A_403 : memref<512xf32, #tpu.memory_space<hbm>>) target_semaphore(%run_scoped3A_396 : memref<!tpu.dma_semaphore, #tpu.memory_space<semaphore_mem>>)
      %dma_wait3A_407 = arith.constant 0 : i32
      %dma_wait3A_408 = tpu.memref_slice %arg11[%run_scoped3A, %dma_wait3A_407] : memref<6x512xf32, #tpu.memory_space<vmem>> -> memref<1x512xf32, #tpu.memory_space<vmem>>
      %dma_wait3A_409 = tpu.memref_squeeze %dma_wait3A_408 : memref<1x512xf32, #tpu.memory_space<vmem>> -> memref<512xf32, #tpu.memory_space<vmem>>
      %dma_wait3A_410 = tpu.memref_slice %arg9[%run_scoped3A_385, %mul3A_2] : memref<6x16384xf32, #tpu.memory_space<hbm>> -> memref<1x512xf32, #tpu.memory_space<hbm>>
      %dma_wait3A_411 = tpu.memref_squeeze %dma_wait3A_410 : memref<1x512xf32, #tpu.memory_space<hbm>> -> memref<512xf32, #tpu.memory_space<hbm>>
      %dma_wait3A_412 = tpu.memref_slice %arg9[%run_scoped3A_385, %mul3A_2] : memref<6x16384xf32, #tpu.memory_space<hbm>> -> memref<1x512xf32, #tpu.memory_space<hbm>>
      %dma_wait3A_413 = tpu.memref_squeeze %dma_wait3A_412 : memref<1x512xf32, #tpu.memory_space<hbm>> -> memref<512xf32, #tpu.memory_space<hbm>>
      %dma_wait3A_414 = arith.constant 0 : i32
      %dma_wait3A_415 = tpu.memref_slice %arg11[%run_scoped3A, %dma_wait3A_414] : memref<6x512xf32, #tpu.memory_space<vmem>> -> memref<1x512xf32, #tpu.memory_space<vmem>>
      %dma_wait3A_416 = tpu.memref_squeeze %dma_wait3A_415 : memref<1x512xf32, #tpu.memory_space<vmem>> -> memref<512xf32, #tpu.memory_space<vmem>>
      tpu.wait_dma2 semaphore(%run_scoped3A_396 : memref<!tpu.dma_semaphore, #tpu.memory_space<semaphore_mem>>) src(%dma_wait3A_416 : memref<512xf32, #tpu.memory_space<vmem>>) dst(%dma_wait3A_413 : memref<512xf32, #tpu.memory_space<hbm>>)
      tpu.yield
    }) : () -> ()
    %run_scoped3A_386 = arith.constant 1 : i32
    %run_scoped3A_387 = arith.constant 1 : i32
    "tpu.region"() ({
      %run_scoped3A_396 = tpu.sem_alloc : memref<!tpu.dma_semaphore, #tpu.memory_space<semaphore_mem>>
      %dma_start3A_397 = arith.constant 0 : i32
      %dma_start3A_398 = tpu.memref_slice %arg11[%run_scoped3A_386, %dma_start3A_397] : memref<6x512xf32, #tpu.memory_space<vmem>> -> memref<1x512xf32, #tpu.memory_space<vmem>>
      %dma_start3A_399 = tpu.memref_squeeze %dma_start3A_398 : memref<1x512xf32, #tpu.memory_space<vmem>> -> memref<512xf32, #tpu.memory_space<vmem>>
      %dma_start3A_400 = tpu.memref_slice %arg9[%run_scoped3A_387, %mul3A_2] : memref<6x16384xf32, #tpu.memory_space<hbm>> -> memref<1x512xf32, #tpu.memory_space<hbm>>
      %dma_start3A_401 = tpu.memref_squeeze %dma_start3A_400 : memref<1x512xf32, #tpu.memory_space<hbm>> -> memref<512xf32, #tpu.memory_space<hbm>>
      %dma_start3A_402 = tpu.memref_slice %arg9[%run_scoped3A_387, %mul3A_2] : memref<6x16384xf32, #tpu.memory_space<hbm>> -> memref<1x512xf32, #tpu.memory_space<hbm>>
      %dma_start3A_403 = tpu.memref_squeeze %dma_start3A_402 : memref<1x512xf32, #tpu.memory_space<hbm>> -> memref<512xf32, #tpu.memory_space<hbm>>
      %dma_start3A_404 = arith.constant 0 : i32
      %dma_start3A_405 = tpu.memref_slice %arg11[%run_scoped3A_386, %dma_start3A_404] : memref<6x512xf32, #tpu.memory_space<vmem>> -> memref<1x512xf32, #tpu.memory_space<vmem>>
      %dma_start3A_406 = tpu.memref_squeeze %dma_start3A_405 : memref<1x512xf32, #tpu.memory_space<vmem>> -> memref<512xf32, #tpu.memory_space<vmem>>
      tpu.enqueue_dma source(%dma_start3A_406 : memref<512xf32, #tpu.memory_space<vmem>>) target(%dma_start3A_403 : memref<512xf32, #tpu.memory_space<hbm>>) target_semaphore(%run_scoped3A_396 : memref<!tpu.dma_semaphore, #tpu.memory_space<semaphore_mem>>)
      %dma_wait3A_407 = arith.constant 0 : i32
      %dma_wait3A_408 = tpu.memref_slice %arg11[%run_scoped3A_386, %dma_wait3A_407] : memref<6x512xf32, #tpu.memory_space<vmem>> -> memref<1x512xf32, #tpu.memory_space<vmem>>
      %dma_wait3A_409 = tpu.memref_squeeze %dma_wait3A_408 : memref<1x512xf32, #tpu.memory_space<vmem>> -> memref<512xf32, #tpu.memory_space<vmem>>
      %dma_wait3A_410 = tpu.memref_slice %arg9[%run_scoped3A_387, %mul3A_2] : memref<6x16384xf32, #tpu.memory_space<hbm>> -> memref<1x512xf32, #tpu.memory_space<hbm>>
      %dma_wait3A_411 = tpu.memref_squeeze %dma_wait3A_410 : memref<1x512xf32, #tpu.memory_space<hbm>> -> memref<512xf32, #tpu.memory_space<hbm>>
      %dma_wait3A_412 = tpu.memref_slice %arg9[%run_scoped3A_387, %mul3A_2] : memref<6x16384xf32, #tpu.memory_space<hbm>> -> memref<1x512xf32, #tpu.memory_space<hbm>>
      %dma_wait3A_413 = tpu.memref_squeeze %dma_wait3A_412 : memref<1x512xf32, #tpu.memory_space<hbm>> -> memref<512xf32, #tpu.memory_space<hbm>>
      %dma_wait3A_414 = arith.constant 0 : i32
      %dma_wait3A_415 = tpu.memref_slice %arg11[%run_scoped3A_386, %dma_wait3A_414] : memref<6x512xf32, #tpu.memory_space<vmem>> -> memref<1x512xf32, #tpu.memory_space<vmem>>
      %dma_wait3A_416 = tpu.memref_squeeze %dma_wait3A_415 : memref<1x512xf32, #tpu.memory_space<vmem>> -> memref<512xf32, #tpu.memory_space<vmem>>
      tpu.wait_dma2 semaphore(%run_scoped3A_396 : memref<!tpu.dma_semaphore, #tpu.memory_space<semaphore_mem>>) src(%dma_wait3A_416 : memref<512xf32, #tpu.memory_space<vmem>>) dst(%dma_wait3A_413 : memref<512xf32, #tpu.memory_space<hbm>>)
      tpu.yield
    }) : () -> ()
    %run_scoped3A_388 = arith.constant 2 : i32
    %run_scoped3A_389 = arith.constant 2 : i32
    "tpu.region"() ({
      %run_scoped3A_396 = tpu.sem_alloc : memref<!tpu.dma_semaphore, #tpu.memory_space<semaphore_mem>>
      %dma_start3A_397 = arith.constant 0 : i32
      %dma_start3A_398 = tpu.memref_slice %arg11[%run_scoped3A_388, %dma_start3A_397] : memref<6x512xf32, #tpu.memory_space<vmem>> -> memref<1x512xf32, #tpu.memory_space<vmem>>
      %dma_start3A_399 = tpu.memref_squeeze %dma_start3A_398 : memref<1x512xf32, #tpu.memory_space<vmem>> -> memref<512xf32, #tpu.memory_space<vmem>>
      %dma_start3A_400 = tpu.memref_slice %arg9[%run_scoped3A_389, %mul3A_2] : memref<6x16384xf32, #tpu.memory_space<hbm>> -> memref<1x512xf32, #tpu.memory_space<hbm>>
      %dma_start3A_401 = tpu.memref_squeeze %dma_start3A_400 : memref<1x512xf32, #tpu.memory_space<hbm>> -> memref<512xf32, #tpu.memory_space<hbm>>
      %dma_start3A_402 = tpu.memref_slice %arg9[%run_scoped3A_389, %mul3A_2] : memref<6x16384xf32, #tpu.memory_space<hbm>> -> memref<1x512xf32, #tpu.memory_space<hbm>>
      %dma_start3A_403 = tpu.memref_squeeze %dma_start3A_402 : memref<1x512xf32, #tpu.memory_space<hbm>> -> memref<512xf32, #tpu.memory_space<hbm>>
      %dma_start3A_404 = arith.constant 0 : i32
      %dma_start3A_405 = tpu.memref_slice %arg11[%run_scoped3A_388, %dma_start3A_404] : memref<6x512xf32, #tpu.memory_space<vmem>> -> memref<1x512xf32, #tpu.memory_space<vmem>>
      %dma_start3A_406 = tpu.memref_squeeze %dma_start3A_405 : memref<1x512xf32, #tpu.memory_space<vmem>> -> memref<512xf32, #tpu.memory_space<vmem>>
      tpu.enqueue_dma source(%dma_start3A_406 : memref<512xf32, #tpu.memory_space<vmem>>) target(%dma_start3A_403 : memref<512xf32, #tpu.memory_space<hbm>>) target_semaphore(%run_scoped3A_396 : memref<!tpu.dma_semaphore, #tpu.memory_space<semaphore_mem>>)
      %dma_wait3A_407 = arith.constant 0 : i32
      %dma_wait3A_408 = tpu.memref_slice %arg11[%run_scoped3A_388, %dma_wait3A_407] : memref<6x512xf32, #tpu.memory_space<vmem>> -> memref<1x512xf32, #tpu.memory_space<vmem>>
      %dma_wait3A_409 = tpu.memref_squeeze %dma_wait3A_408 : memref<1x512xf32, #tpu.memory_space<vmem>> -> memref<512xf32, #tpu.memory_space<vmem>>
      %dma_wait3A_410 = tpu.memref_slice %arg9[%run_scoped3A_389, %mul3A_2] : memref<6x16384xf32, #tpu.memory_space<hbm>> -> memref<1x512xf32, #tpu.memory_space<hbm>>
      %dma_wait3A_411 = tpu.memref_squeeze %dma_wait3A_410 : memref<1x512xf32, #tpu.memory_space<hbm>> -> memref<512xf32, #tpu.memory_space<hbm>>
      %dma_wait3A_412 = tpu.memref_slice %arg9[%run_scoped3A_389, %mul3A_2] : memref<6x16384xf32, #tpu.memory_space<hbm>> -> memref<1x512xf32, #tpu.memory_space<hbm>>
      %dma_wait3A_413 = tpu.memref_squeeze %dma_wait3A_412 : memref<1x512xf32, #tpu.memory_space<hbm>> -> memref<512xf32, #tpu.memory_space<hbm>>
      %dma_wait3A_414 = arith.constant 0 : i32
      %dma_wait3A_415 = tpu.memref_slice %arg11[%run_scoped3A_388, %dma_wait3A_414] : memref<6x512xf32, #tpu.memory_space<vmem>> -> memref<1x512xf32, #tpu.memory_space<vmem>>
      %dma_wait3A_416 = tpu.memref_squeeze %dma_wait3A_415 : memref<1x512xf32, #tpu.memory_space<vmem>> -> memref<512xf32, #tpu.memory_space<vmem>>
      tpu.wait_dma2 semaphore(%run_scoped3A_396 : memref<!tpu.dma_semaphore, #tpu.memory_space<semaphore_mem>>) src(%dma_wait3A_416 : memref<512xf32, #tpu.memory_space<vmem>>) dst(%dma_wait3A_413 : memref<512xf32, #tpu.memory_space<hbm>>)
      tpu.yield
    }) : () -> ()
    %run_scoped3A_390 = arith.constant 3 : i32
    %run_scoped3A_391 = arith.constant 3 : i32
    "tpu.region"() ({
      %run_scoped3A_396 = tpu.sem_alloc : memref<!tpu.dma_semaphore, #tpu.memory_space<semaphore_mem>>
      %dma_start3A_397 = arith.constant 0 : i32
      %dma_start3A_398 = tpu.memref_slice %arg11[%run_scoped3A_390, %dma_start3A_397] : memref<6x512xf32, #tpu.memory_space<vmem>> -> memref<1x512xf32, #tpu.memory_space<vmem>>
      %dma_start3A_399 = tpu.memref_squeeze %dma_start3A_398 : memref<1x512xf32, #tpu.memory_space<vmem>> -> memref<512xf32, #tpu.memory_space<vmem>>
      %dma_start3A_400 = tpu.memref_slice %arg9[%run_scoped3A_391, %mul3A_2] : memref<6x16384xf32, #tpu.memory_space<hbm>> -> memref<1x512xf32, #tpu.memory_space<hbm>>
      %dma_start3A_401 = tpu.memref_squeeze %dma_start3A_400 : memref<1x512xf32, #tpu.memory_space<hbm>> -> memref<512xf32, #tpu.memory_space<hbm>>
      %dma_start3A_402 = tpu.memref_slice %arg9[%run_scoped3A_391, %mul3A_2] : memref<6x16384xf32, #tpu.memory_space<hbm>> -> memref<1x512xf32, #tpu.memory_space<hbm>>
      %dma_start3A_403 = tpu.memref_squeeze %dma_start3A_402 : memref<1x512xf32, #tpu.memory_space<hbm>> -> memref<512xf32, #tpu.memory_space<hbm>>
      %dma_start3A_404 = arith.constant 0 : i32
      %dma_start3A_405 = tpu.memref_slice %arg11[%run_scoped3A_390, %dma_start3A_404] : memref<6x512xf32, #tpu.memory_space<vmem>> -> memref<1x512xf32, #tpu.memory_space<vmem>>
      %dma_start3A_406 = tpu.memref_squeeze %dma_start3A_405 : memref<1x512xf32, #tpu.memory_space<vmem>> -> memref<512xf32, #tpu.memory_space<vmem>>
      tpu.enqueue_dma source(%dma_start3A_406 : memref<512xf32, #tpu.memory_space<vmem>>) target(%dma_start3A_403 : memref<512xf32, #tpu.memory_space<hbm>>) target_semaphore(%run_scoped3A_396 : memref<!tpu.dma_semaphore, #tpu.memory_space<semaphore_mem>>)
      %dma_wait3A_407 = arith.constant 0 : i32
      %dma_wait3A_408 = tpu.memref_slice %arg11[%run_scoped3A_390, %dma_wait3A_407] : memref<6x512xf32, #tpu.memory_space<vmem>> -> memref<1x512xf32, #tpu.memory_space<vmem>>
      %dma_wait3A_409 = tpu.memref_squeeze %dma_wait3A_408 : memref<1x512xf32, #tpu.memory_space<vmem>> -> memref<512xf32, #tpu.memory_space<vmem>>
      %dma_wait3A_410 = tpu.memref_slice %arg9[%run_scoped3A_391, %mul3A_2] : memref<6x16384xf32, #tpu.memory_space<hbm>> -> memref<1x512xf32, #tpu.memory_space<hbm>>
      %dma_wait3A_411 = tpu.memref_squeeze %dma_wait3A_410 : memref<1x512xf32, #tpu.memory_space<hbm>> -> memref<512xf32, #tpu.memory_space<hbm>>
      %dma_wait3A_412 = tpu.memref_slice %arg9[%run_scoped3A_391, %mul3A_2] : memref<6x16384xf32, #tpu.memory_space<hbm>> -> memref<1x512xf32, #tpu.memory_space<hbm>>
      %dma_wait3A_413 = tpu.memref_squeeze %dma_wait3A_412 : memref<1x512xf32, #tpu.memory_space<hbm>> -> memref<512xf32, #tpu.memory_space<hbm>>
      %dma_wait3A_414 = arith.constant 0 : i32
      %dma_wait3A_415 = tpu.memref_slice %arg11[%run_scoped3A_390, %dma_wait3A_414] : memref<6x512xf32, #tpu.memory_space<vmem>> -> memref<1x512xf32, #tpu.memory_space<vmem>>
      %dma_wait3A_416 = tpu.memref_squeeze %dma_wait3A_415 : memref<1x512xf32, #tpu.memory_space<vmem>> -> memref<512xf32, #tpu.memory_space<vmem>>
      tpu.wait_dma2 semaphore(%run_scoped3A_396 : memref<!tpu.dma_semaphore, #tpu.memory_space<semaphore_mem>>) src(%dma_wait3A_416 : memref<512xf32, #tpu.memory_space<vmem>>) dst(%dma_wait3A_413 : memref<512xf32, #tpu.memory_space<hbm>>)
      tpu.yield
    }) : () -> ()
    %run_scoped3A_392 = arith.constant 4 : i32
    %run_scoped3A_393 = arith.constant 4 : i32
    "tpu.region"() ({
      %run_scoped3A_396 = tpu.sem_alloc : memref<!tpu.dma_semaphore, #tpu.memory_space<semaphore_mem>>
      %dma_start3A_397 = arith.constant 0 : i32
      %dma_start3A_398 = tpu.memref_slice %arg11[%run_scoped3A_392, %dma_start3A_397] : memref<6x512xf32, #tpu.memory_space<vmem>> -> memref<1x512xf32, #tpu.memory_space<vmem>>
      %dma_start3A_399 = tpu.memref_squeeze %dma_start3A_398 : memref<1x512xf32, #tpu.memory_space<vmem>> -> memref<512xf32, #tpu.memory_space<vmem>>
      %dma_start3A_400 = tpu.memref_slice %arg9[%run_scoped3A_393, %mul3A_2] : memref<6x16384xf32, #tpu.memory_space<hbm>> -> memref<1x512xf32, #tpu.memory_space<hbm>>
      %dma_start3A_401 = tpu.memref_squeeze %dma_start3A_400 : memref<1x512xf32, #tpu.memory_space<hbm>> -> memref<512xf32, #tpu.memory_space<hbm>>
      %dma_start3A_402 = tpu.memref_slice %arg9[%run_scoped3A_393, %mul3A_2] : memref<6x16384xf32, #tpu.memory_space<hbm>> -> memref<1x512xf32, #tpu.memory_space<hbm>>
      %dma_start3A_403 = tpu.memref_squeeze %dma_start3A_402 : memref<1x512xf32, #tpu.memory_space<hbm>> -> memref<512xf32, #tpu.memory_space<hbm>>
      %dma_start3A_404 = arith.constant 0 : i32
      %dma_start3A_405 = tpu.memref_slice %arg11[%run_scoped3A_392, %dma_start3A_404] : memref<6x512xf32, #tpu.memory_space<vmem>> -> memref<1x512xf32, #tpu.memory_space<vmem>>
      %dma_start3A_406 = tpu.memref_squeeze %dma_start3A_405 : memref<1x512xf32, #tpu.memory_space<vmem>> -> memref<512xf32, #tpu.memory_space<vmem>>
      tpu.enqueue_dma source(%dma_start3A_406 : memref<512xf32, #tpu.memory_space<vmem>>) target(%dma_start3A_403 : memref<512xf32, #tpu.memory_space<hbm>>) target_semaphore(%run_scoped3A_396 : memref<!tpu.dma_semaphore, #tpu.memory_space<semaphore_mem>>)
      %dma_wait3A_407 = arith.constant 0 : i32
      %dma_wait3A_408 = tpu.memref_slice %arg11[%run_scoped3A_392, %dma_wait3A_407] : memref<6x512xf32, #tpu.memory_space<vmem>> -> memref<1x512xf32, #tpu.memory_space<vmem>>
      %dma_wait3A_409 = tpu.memref_squeeze %dma_wait3A_408 : memref<1x512xf32, #tpu.memory_space<vmem>> -> memref<512xf32, #tpu.memory_space<vmem>>
      %dma_wait3A_410 = tpu.memref_slice %arg9[%run_scoped3A_393, %mul3A_2] : memref<6x16384xf32, #tpu.memory_space<hbm>> -> memref<1x512xf32, #tpu.memory_space<hbm>>
      %dma_wait3A_411 = tpu.memref_squeeze %dma_wait3A_410 : memref<1x512xf32, #tpu.memory_space<hbm>> -> memref<512xf32, #tpu.memory_space<hbm>>
      %dma_wait3A_412 = tpu.memref_slice %arg9[%run_scoped3A_393, %mul3A_2] : memref<6x16384xf32, #tpu.memory_space<hbm>> -> memref<1x512xf32, #tpu.memory_space<hbm>>
      %dma_wait3A_413 = tpu.memref_squeeze %dma_wait3A_412 : memref<1x512xf32, #tpu.memory_space<hbm>> -> memref<512xf32, #tpu.memory_space<hbm>>
      %dma_wait3A_414 = arith.constant 0 : i32
      %dma_wait3A_415 = tpu.memref_slice %arg11[%run_scoped3A_392, %dma_wait3A_414] : memref<6x512xf32, #tpu.memory_space<vmem>> -> memref<1x512xf32, #tpu.memory_space<vmem>>
      %dma_wait3A_416 = tpu.memref_squeeze %dma_wait3A_415 : memref<1x512xf32, #tpu.memory_space<vmem>> -> memref<512xf32, #tpu.memory_space<vmem>>
      tpu.wait_dma2 semaphore(%run_scoped3A_396 : memref<!tpu.dma_semaphore, #tpu.memory_space<semaphore_mem>>) src(%dma_wait3A_416 : memref<512xf32, #tpu.memory_space<vmem>>) dst(%dma_wait3A_413 : memref<512xf32, #tpu.memory_space<hbm>>)
      tpu.yield
    }) : () -> ()
    %run_scoped3A_394 = arith.constant 5 : i32
    %run_scoped3A_395 = arith.constant 5 : i32
    "tpu.region"() ({
      %run_scoped3A_396 = tpu.sem_alloc : memref<!tpu.dma_semaphore, #tpu.memory_space<semaphore_mem>>
      %dma_start3A_397 = arith.constant 0 : i32
      %dma_start3A_398 = tpu.memref_slice %arg11[%run_scoped3A_394, %dma_start3A_397] : memref<6x512xf32, #tpu.memory_space<vmem>> -> memref<1x512xf32, #tpu.memory_space<vmem>>
      %dma_start3A_399 = tpu.memref_squeeze %dma_start3A_398 : memref<1x512xf32, #tpu.memory_space<vmem>> -> memref<512xf32, #tpu.memory_space<vmem>>
      %dma_start3A_400 = tpu.memref_slice %arg9[%run_scoped3A_395, %mul3A_2] : memref<6x16384xf32, #tpu.memory_space<hbm>> -> memref<1x512xf32, #tpu.memory_space<hbm>>
      %dma_start3A_401 = tpu.memref_squeeze %dma_start3A_400 : memref<1x512xf32, #tpu.memory_space<hbm>> -> memref<512xf32, #tpu.memory_space<hbm>>
      %dma_start3A_402 = tpu.memref_slice %arg9[%run_scoped3A_395, %mul3A_2] : memref<6x16384xf32, #tpu.memory_space<hbm>> -> memref<1x512xf32, #tpu.memory_space<hbm>>
      %dma_start3A_403 = tpu.memref_squeeze %dma_start3A_402 : memref<1x512xf32, #tpu.memory_space<hbm>> -> memref<512xf32, #tpu.memory_space<hbm>>
      %dma_start3A_404 = arith.constant 0 : i32
      %dma_start3A_405 = tpu.memref_slice %arg11[%run_scoped3A_394, %dma_start3A_404] : memref<6x512xf32, #tpu.memory_space<vmem>> -> memref<1x512xf32, #tpu.memory_space<vmem>>
      %dma_start3A_406 = tpu.memref_squeeze %dma_start3A_405 : memref<1x512xf32, #tpu.memory_space<vmem>> -> memref<512xf32, #tpu.memory_space<vmem>>
      tpu.enqueue_dma source(%dma_start3A_406 : memref<512xf32, #tpu.memory_space<vmem>>) target(%dma_start3A_403 : memref<512xf32, #tpu.memory_space<hbm>>) target_semaphore(%run_scoped3A_396 : memref<!tpu.dma_semaphore, #tpu.memory_space<semaphore_mem>>)
      %dma_wait3A_407 = arith.constant 0 : i32
      %dma_wait3A_408 = tpu.memref_slice %arg11[%run_scoped3A_394, %dma_wait3A_407] : memref<6x512xf32, #tpu.memory_space<vmem>> -> memref<1x512xf32, #tpu.memory_space<vmem>>
      %dma_wait3A_409 = tpu.memref_squeeze %dma_wait3A_408 : memref<1x512xf32, #tpu.memory_space<vmem>> -> memref<512xf32, #tpu.memory_space<vmem>>
      %dma_wait3A_410 = tpu.memref_slice %arg9[%run_scoped3A_395, %mul3A_2] : memref<6x16384xf32, #tpu.memory_space<hbm>> -> memref<1x512xf32, #tpu.memory_space<hbm>>
      %dma_wait3A_411 = tpu.memref_squeeze %dma_wait3A_410 : memref<1x512xf32, #tpu.memory_space<hbm>> -> memref<512xf32, #tpu.memory_space<hbm>>
      %dma_wait3A_412 = tpu.memref_slice %arg9[%run_scoped3A_395, %mul3A_2] : memref<6x16384xf32, #tpu.memory_space<hbm>> -> memref<1x512xf32, #tpu.memory_space<hbm>>
      %dma_wait3A_413 = tpu.memref_squeeze %dma_wait3A_412 : memref<1x512xf32, #tpu.memory_space<hbm>> -> memref<512xf32, #tpu.memory_space<hbm>>
      %dma_wait3A_414 = arith.constant 0 : i32
      %dma_wait3A_415 = tpu.memref_slice %arg11[%run_scoped3A_394, %dma_wait3A_414] : memref<6x512xf32, #tpu.memory_space<vmem>> -> memref<1x512xf32, #tpu.memory_space<vmem>>
      %dma_wait3A_416 = tpu.memref_squeeze %dma_wait3A_415 : memref<1x512xf32, #tpu.memory_space<vmem>> -> memref<512xf32, #tpu.memory_space<vmem>>
      tpu.wait_dma2 semaphore(%run_scoped3A_396 : memref<!tpu.dma_semaphore, #tpu.memory_space<semaphore_mem>>) src(%dma_wait3A_416 : memref<512xf32, #tpu.memory_space<vmem>>) dst(%dma_wait3A_413 : memref<512xf32, #tpu.memory_space<hbm>>)
      tpu.yield
    }) : () -> ()
    return
  }
}

</mosaic_0001>

<sc_bundles>
// kernel: kernel.3.cloned.1.call-start
scs
__scs_entry_jumppad:
0x0: {  	(pc) =	sbr.rel $0x88, $3  }
0x1: {  	(tag) =	ssettag $0x0;
	lr =	simm.s32 $0x1  }
0x2: {  	[smem:$0x3F9F] =	sst lr;
	_ =	strace $0xD0000000  }
0x3: {  	_ = 	snop  }
0x4: {  	_ = 	snop  }
0x5: {  	_ = 	snop  }
0x6: {  	_ = 	snop  }
0x7: {  	_ = 	snop  }
__scs_overlays_trampoline_lowered:
0x8: {  	[smem:$0x3FAE] =	sst s0  }
0x9: {  	[smem:$0x3FAF] =	sst s1  }
0xa: {  	[smem:$0x3FB0] =	sst s2  }
0xb: {  	[smem:$0x3FB1] =	sst s3  }
0xc: {  	[smem:$0x3FB2] =	sst s4  }
0xd: {  	[smem:$0x3FB3] =	sst s5  }
0xe: {  	[smem:$0x3FB4] =	sst s6  }
0xf: {  	[smem:$0x3FB5] =	sst s7  }
0x10: {  	[smem:$0x3FB6] =	sst s8  }
0x11: {  	[smem:$0x3FB7] =	sst s9;
	s0 =	simm.s32 @!p0 $0x0  }
0x12: {  	s1 =	sld [smem:$0x3F9D];
	s0 =	simm.s32 @p0 $0x1  }
0x13: {  	[smem:$0x3FB8] =	sst s0;
	s0 =	simm.s32 @!p1 $0x0  }
0x14: {  	s2 =	sld [smem:$0x3F9C];
	s0 =	simm.s32 @p1 $0x1  }
0x15: {  	[smem:$0x3FB9] =	sst s0;
	s0 =	simm.s32 @!p2 $0x0  }
0x16: {  	s3 =	sld [smem:$0x3FDB];
	s0 =	simm.s32 @p2 $0x1  }
0x17: {  	s4 =	simm.s32 $0x1BF5;
	[smem:$0x3FBB] =	sst s0  }
0x18: {  	s0 =	sld [smem:$0x3F9E];
	_ =	swait.ge [sflag:s4], $0x0  }
0x19: {  	s7 =	sld [smem:$0x3F9F]  }
0x1a: {  	s8 =	sadd.s32 $0xFFFFE003, lr  }
0x1b: {  	s9 =	sadd.s32 $0xFFFFFEF7, lr;
	s5 =	simm.s32 $0xFFFFFFFF;
	p2 =	slt.u32 s8, $0xFFFFF086  }
0x1c: {  	p1 =	slt.u32 s9, $0xF7A;
	s5 =	simm.s32 @!p2 $0x0  }
0x1d: {  	s5 =	simm.s32 @p1 $0x1;
	p0 =	seq.s32 s7, s2  }
0x1e: {  	s7 =	smul.u32 @!p0 $0xF7A, s2;
	p2 =	seq.s32 @!p0 s5, $0x0  }
0x1f: {  	s9 =	smul.u32 $0xF7A, s1;
	s8 =	simm.s32 @!p0 $0x1BF5;
	p2 =	por !p2, p0  }
0x20: {  	[sflag:s8] =	ssyncset.s32 @!p0 $0xFFFFF086;
	s6 =	sadd.s32 @!p0 s3, s7;
	s7 =	simm.s32 @!p0 $0x108  }
0x21: {  	s3 =	sadd.s32 s3, s9;
	s6 =	sadd.s32 @!p0 $0x88, s6;
	s7 =	simm.s32 @p2 $0x1082  }
0x22: {  	[simem:s7], [sflag:s8] =	dma.local @!p0 [hbm:s6], $0xF7A  }
0x23: {  	s9 =	sor.u32 $0xD0000000, s2;
	s6 =	simm.s32 $0x108;
	_ =	swait.ge @!p0 [sflag:s8], $0x0  }
0x24: {  	s3 =	sadd.s32 $0x88, s3;
	s6 =	simm.s32 @!p1 $0x1082;
	[sflag:s4] =	ssyncset.s32 $0xFFFFF086  }
0x25: {  	[simem:s6], [sflag:s4] =	dma.local [hbm:s3], $0xF7A  }
0x26: {  	[smem:$0x3F9F] =	sst s1;
	(tag) =	ssettag s2;
	_ =	strace s9  }
0x27: {  	s1 =	sld [smem:$0x3FAF]  }
0x28: {  	s2 =	sld [smem:$0x3FB0]  }
0x29: {  	s4 =	sld [smem:$0x3FB2]  }
0x2a: {  	p0 =	seq.s32 s5, $0x0;
	s5 =	sld [smem:$0x3FB3]  }
0x2b: {  	s6 =	sld [smem:$0x3FB4]  }
0x2c: {  	s7 =	sld [smem:$0x3FB5]  }
0x2d: {  	s3 =	simm.s32 $0x108;
	s8 =	sld [smem:$0x3FB6]  }
0x2e: {  	s3 =	simm.s32 @!p0 $0x1082;
	s9 =	sld [smem:$0x3FB7]  }
0x2f: {  	lr =	sadd.s32 s0, s3;
	s0 =	sld [smem:$0x3FAE]  }
0x30: {  	s3 =	sld [smem:$0x3FB1]  }
0x31: {  	[smem:$0x3FBA] =	sst s10  }
0x32: {  	s10 =	sld [smem:$0x3FB8];
	_ =	sdelay $0x3  }
0x33: {  	p0 =	seq.s32 s10, $0x1;
	s10 =	sld [smem:$0x3FBA];
	_ =	sdelay $0x3  }
0x34: {  	[smem:$0x3FBA] =	sst s10  }
0x35: {  	s10 =	sld [smem:$0x3FB9];
	_ =	sdelay $0x3  }
0x36: {  	p1 =	seq.s32 s10, $0x1;
	s10 =	sld [smem:$0x3FBA];
	_ =	sdelay $0x3  }
0x37: {  	[smem:$0x3FBA] =	sst s10  }
0x38: {  	s10 =	sld [smem:$0x3FBB]  }
0x39: {  	_ = 	snop;
	(pc) =	sbr.ind lr, $3  }
0x3a: {  	_ = 	snop  }
0x3b: {  	_ = 	snop  }
0x3c: {  	p2 =	seq.s32 s10, $0x1;
	s10 =	sld [smem:$0x3FBA]  }
0x3d: {  	_ =	shalt  }
0x3e: {  	_ =	shalt  }
0x3f: {  	_ =	shalt  }
0x40: {  	_ =	shalt  }
0x41: {  	_ =	shalt  }
0x42: {  	_ =	shalt  }
0x43: {  	_ =	shalt  }
0x44: {  	_ =	shalt  }
0x45: {  	_ =	shalt  }
0x46: {  	_ =	shalt  }
0x47: {  	_ =	shalt  }
0x48: {  	_ =	shalt  }
0x49: {  	_ =	shalt  }
0x4a: {  	_ =	shalt  }
0x4b: {  	_ =	shalt  }
0x4c: {  	_ =	shalt  }
0x4d: {  	_ =	shalt  }
0x4e: {  	_ =	shalt  }
0x4f: {  	_ =	shalt  }
0x50: {  	_ =	shalt  }
0x51: {  	_ =	shalt  }
0x52: {  	_ =	shalt  }
0x53: {  	_ =	shalt  }
0x54: {  	_ =	shalt  }
0x55: {  	_ =	shalt  }
0x56: {  	_ =	shalt  }
0x57: {  	_ =	shalt  }
0x58: {  	_ =	shalt  }
0x59: {  	_ =	shalt  }
0x5a: {  	_ =	shalt  }
0x5b: {  	_ =	shalt  }
0x5c: {  	_ =	shalt  }
0x5d: {  	_ =	shalt  }
0x5e: {  	_ =	shalt  }
0x5f: {  	_ =	shalt  }
0x60: {  	_ =	shalt  }
0x61: {  	_ =	shalt  }
0x62: {  	_ =	shalt  }
0x63: {  	_ =	shalt  }
0x64: {  	_ =	shalt  }
0x65: {  	_ =	shalt  }
0x66: {  	_ =	shalt  }
0x67: {  	_ =	shalt  }
0x68: {  	_ =	shalt  }
0x69: {  	_ =	shalt  }
0x6a: {  	_ =	shalt  }
0x6b: {  	_ =	shalt  }
0x6c: {  	_ =	shalt  }
0x6d: {  	_ =	shalt  }
0x6e: {  	_ =	shalt  }
0x6f: {  	_ =	shalt  }
0x70: {  	_ =	shalt  }
0x71: {  	_ =	shalt  }
0x72: {  	_ =	shalt  }
0x73: {  	_ =	shalt  }
0x74: {  	_ =	shalt  }
0x75: {  	_ =	shalt  }
0x76: {  	_ =	shalt  }
0x77: {  	_ =	shalt  }
0x78: {  	_ =	shalt  }
0x79: {  	_ =	shalt  }
0x7a: {  	_ =	shalt  }
0x7b: {  	_ =	shalt  }
0x7c: {  	_ =	shalt  }
0x7d: {  	_ =	shalt  }
0x7e: {  	_ =	shalt  }
0x7f: {  	_ =	shalt  }
0x80: {  	_ =	shalt  }
0x81: {  	_ =	shalt  }
0x82: {  	_ =	shalt  }
0x83: {  	_ =	shalt  }
0x84: {  	_ =	shalt  }
0x85: {  	_ =	shalt  }
0x86: {  	_ =	shalt  }
0x87: {  	_ =	shalt  }
.Lfunc_end0:
.L_simem_size_0:
called_computation_lowered:
.L_overlay_start_0:
0x88: {  	s2 =	sld [smem:$0x3FD9]  }
0x89: {  	s3 =	sld [smem:$0x3FFE];
	_ =	sdelay $0x1  }
0x8a: {  	s1 =	srdreg.scid  }
0x8b: {  	s0 =	sand.u32 $0x1, s1  }
0x8c: {  	s17 =	sshll.u32 s0, $0xA;
	s2 =	sadd.s32 s3, s2  }
0x8d: {  	s2 =	sadd.s32 s2, s17  }
0x8e: {  	[smem:$0x3FC6] =	sst s2  }
0x8f: {  	_ = 	snop  }
0x90: {  	s2 =	sld [smem:$0x3FC9];
	(tm) =	ssettm $0x1  }
0x91: {  	s18 =	sld [smem:$0x3FFB];
	_ =	sdelay $0x3  }
0x92: {  	_ =	strace s18  }
0x93: {  	s3 =	sld [smem:$0x3FFC];
	_ =	sdelay $0x3  }
0x94: {  	_ =	strace s3  }
0x95: {  	s3 =	sld [smem:$0x3FFD];
	_ =	sdelay $0x3  }
0x96: {  	_ =	strace s3  }
0x97: {  	_ =	strace $0x8FFFFFFF  }
0x98: {  	s19 =	sld [smem:$0x3FDB];
	_ =	sdelay $0x1  }
0x99: {  	s4 =	simm.s32 $_scs_section_size  }
0x9a: {  	s5 =	simm.s32 $_size__tile_overlayer_lowered;
	s6 =	simm.s32 $_tile_overlayer_lowered  }
0x9b: {  	s22 =	simm.s32 $0x1BFF;
	s21 =	sshll.u32 s6, $0x1;
	s3 =	sadd.s32 s4, s19  }
0x9c: {  	s7 =	simm.s32 $0x0;
	s20 =	sshll.u32 s5, $0x1;
	s5 =	sadd.s32 s21, s3  }
0x9d: {  	[timem:s7], [sflag:s22] =	dma.local [hbm:s5], s20  }
0x9e: {  	_ =	swait.ge [sflag:s22], s20  }
0x9f: {  	s4 =	ssub.s32 $0x0, s20;
	[sflag:s22] =	ssyncset.done $0x0  }
0xa0: {  	[sflag:s22] =	ssyncadd.s32 s4;
	_ =	sdelay $0x1  }
0xa1: {  	s23 =	simm.s32 $0x1B8B  }
0xa2: {  	_ =	swait.ge [sflag:s23], $0x1  }
0xa3: {  	[sflag:s23] =	ssyncset.done $0x0  }
0xa4: {  	s25 =	simm.s32 $0x1B8E;
	s24 =	sld [smem:$0x3FFE];
	[sflag:s23] =	ssyncadd.s32 $0xFFFFFFFF  }
0xa5: {  	s26 =	simm.s32 $execute0_lowered;
	[smem:$0x3FD2] =	sst s25  }
0xa6: {  	s5 =	sshll.u32 s26, $0x1;
	_ =	strace $0x80000046;
	[dreg:$0x1] =	wrdreg $0xFFFFFFFF  }
0xa7: {  	s28 =	simm.s32 $_size_execute0_lowered;
	s3 =	sadd.s32 s3, s5;
	[dreg:$0x0] =	wrdreg $0x0  }
0xa8: {  	s5 =	sshll.u32 s28, $0x1;
	[dreg:$0x2] =	wrdreg s3  }
0xa9: {  	[dreg:$0x3] =	wrdreg s5  }
0xaa: {  	[dreg:$0x4] =	wrdreg $0xC0  }
0xab: {  	_ =	task [dreg:s7], $0x5FFFF  }
0xac: {  	[dreg:$0x1] =	wrdreg $0xFFFFFFFF  }
0xad: {  	[dreg:$0x0] =	wrdreg $0x60  }
0xae: {  	[dreg:$0x2] =	wrdreg s2  }
0xaf: {  	[dreg:$0x3] =	wrdreg s24  }
0xb0: {  	[dreg:$0x4] =	wrdreg $0x9  }
0xb1: {  	_ =	task.clear_ibuf [dreg:s7], $0x5FFFF;
	_ =	strace $0x90000046  }
0xb2: {  	s29 =	simm.s32 $0x9;
	_ =	strace $0x80000048  }
0xb3: {  	_ =	swait.ge [sflag:s29], $0x1  }
0xb4: {  	[sflag:s29] =	ssyncadd.s32 $0xFFFFFFFF  }
0xb5: {  	_ =	strace $0x90000048  }
0xb6: {  	_ =	sfence  }
0xb7: {  	s30 =	sld [smem:$0x0];
	_ =	sdelay $0x2  }
0xb8: {  	s31 =	sshll.u32 s1, $0xD;
	s1 =	sshrl.u32 s1, $0x2  }
0xb9: {  	s3 =	sand.u32 $0x4000, s31;
	s1 =	sadd.s32 s1, s30  }
0xba: {  	s0 =	sor.u32 s3, s0;
	s1 =	sshll.u32 s1, $0x11  }
0xbb: {  	s0 =	sor.u32 s1, s0  }
0xbc: {  	s0 =	sadd.s32 $0x8F2B, s0  }
0xbd: {  	[sflag:s0] =	ssyncadd.remote.s32 $0x1  }
0xbe: {  	_ =	sfence.sel $0xFFFF  }
0xbf: {  	[dreg:$0x0] =	wrdreg $0xFFFFFFFF;
	(pc) =	sbr.abs _section_cstart, $3  }
0xc0: {  	[dreg:$0x1] =	wrdreg $0xFFFFFFFF  }
0xc1: {  	_ =	task.clear_ibuf [dreg:s7], $0x2FFFF;
	_ =	strace $0x9FFFFFFF  }
0xc2: {  	(tm) =	ssettm $0x7FFFFFFF  }
0xc3: {  	_ =	shalt  }
tec
execute0_lowered:
.L_overlay_start_1:
0x0: {  	(tag) =	ssettag $0x1  }
0x1: {  	s0 =	rddreg [dreg:$0x0]  }
0x2: {  	s10 =	rddreg [dreg:$0x1]  }
0x3: {  	s20 =	rddreg [dreg:$0x2];
	s1 =	srdreg.scid  }
0x4: {  	s2 =	simm.s32 $0x0;
	s3 =	stileid.u32;
	s19 =	simm.s32 $0x280  }
0x5: {  	s21 =	simm.s32 $0x300;
	s17 =	simm.s32 $0x80;
	s22 =	simm.s32 $0x380  }
0x6: {  	s23 =	simm.s32 $0x480;
	s18 =	simm.s32 $0x100;
	s24 =	simm.s32 $0x500  }
0x7: {  	s25 =	simm.s32 $0x580;
	s28 =	simm.s32 $0xB00;
	p0 =	por $0x0, $0x0  }
0x8: {  	s29 =	simm.s32 $0xB80;
	s30 =	simm.s32 $0xC80;
	[smem:$0x7FF] =	sst s2  }
0x9: {  	s31 =	simm.s32 $0xD00;
	_ =	strace $0x80000047;
	[dreg:$0xa] =	wrdreg s19  }
0xa: {  	s1 =	sand.u32 $0x1, s1;
	s3 =	sshll.u32 s3, $0x7;
	[dreg:$0xb] =	wrdreg s21  }
0xb: {  	s16 =	sadd.s32 $0x99200, s10;
	s15 =	sadd.s32 $0x7A800, s10;
	[dreg:$0xc] =	wrdreg s22  }
0xc: {  	s14 =	sadd.s32 $0x5BE00, s10;
	s13 =	sadd.s32 $0x3D400, s10;
	[dreg:$0xd] =	wrdreg s23  }
0xd: {  	s12 =	sadd.s32 $0x1EA00, s10;
	s4 =	sshll.u32 s1, $0x6;
	[dreg:$0xe] =	wrdreg s24  }
0xe: {  	s1 =	ssub.s32 $0x2, s1;
	s19 =	simm.s32 $0x180;
	[dreg:$0xf] =	wrdreg s25  }
0xf: {  	s22 =	simm.s32 $0x780;
	s23 =	simm.s32 $0x880;
	s24 =	simm.s32 $0x900  }
0x10: {  	s25 =	simm.s32 $0x980;
	s21 =	simm.s32 $0xD80;
	s3 =	sor.u32 s4, s3  }
0x11: {  	s7 =	sshrl.u32 s1, $0x1;
	s4 =	sadd.s32 s3, s10;
	s0 =	sadd.s32 s0, s3  }
0x12: {  	s1 =	ssub.s32 s1, s7;
	[dreg:$0x3] =	wrdreg s0;
	s26 =	sadd.s32 $0xB7C00, s4  }
0x13: {  	s7 =	simm.s32 $0x600;
	s3 =	sadd.s32 $0xB8400, s4;
	[dreg:$0x4] =	wrdreg s26  }
0x14: {  	s5 =	sadd.s32 $0xB8C00, s4;
	s6 =	sadd.s32 $0xB9400, s4;
	[dreg:$0x5] =	wrdreg s3  }
0x15: {  	s8 =	sadd.s32 $0xB9C00, s4;
	s11 =	smax.u32 s1, $0x1;
	[dreg:$0x6] =	wrdreg s5  }
0x16: {  	s9 =	sadd.s32 $0xBA400, s4;
	[dreg:$0x7] =	wrdreg s6;
	p1 =	sne.s32 s11, $0x1  }
.Ltmp0:
0x17: {  	s4 =	simm.s32 $0x200;
	[dreg:$0x8] =	wrdreg s8;
	(pc) =	sbr.rel @!p1 .LBB2_1-.Ltmp0, $4  }
0x18: {  	[dreg:$0x9] =	wrdreg s9;
	s3 =	simm.s32 $0x2;
	s9 =	simm.s32 $0x400  }
0x19: {  	s26 =	simm.s32 $0x680;
	s6 =	simm.s32 $0x800;
	s5 =	simm.s32 $0xA00  }
0x1a: {  	s0 =	sadd.s32 $0xFFFFFFFF, s11;
	s8 =	simm.s32 $0xC00;
	s1 =	rddreg [dreg:$0x3]  }
0x1b: {  	s11 =	simm.s32 $0x1;
	[dreg:$0x10] =	wrdreg s26;
	s26 =	simm.s32 $0xA80  }
0x1c: {  	[tilespmem:s2], [sflag:$0x2] =	stream.linear.gather [hbm4b:s1+s2], $0x200, $0x38;
	[tilespmem:$0xE00] =	vst v63  }
0x1d: {  	_ =	swait.ge [sflag:s3], $0x200  }
0x1e: {  	[sflag:s3] =	ssyncset.done $0x0  }
0x1f: {  	[sflag:s3] =	ssyncadd.s32 $0xFFFFFE00  }
0x20: {  	[tilespmem:s4], [sflag:$0x1] =	stream.indirect.gather [hbm4b:s16+s17], $0x1, s2, s17, $0xb8;
	[tilespmem:$0xE00] =	vst v63  }
0x21: {  	s1 =	rddreg [dreg:$0xa]  }
0x22: {  	[tilespmem:s1], [sflag:$0x1] =	stream.indirect.gather [hbm4b:s16+s17], $0x1, s17, s17, $0xb8;
	[tilespmem:$0xE00] =	vst v63  }
0x23: {  	s20 =	smov.u32 s0;
	s0 =	rddreg [dreg:$0xb]  }
0x24: {  	[tilespmem:s0], [sflag:$0x1] =	stream.indirect.gather [hbm4b:s16+s17], $0x1, s18, s17, $0xb8;
	[tilespmem:$0xE00] =	vst v63  }
0x25: {  	s1 =	rddreg [dreg:$0xc]  }
0x26: {  	[tilespmem:s1], [sflag:$0x1] =	stream.indirect.gather [hbm4b:s16+s17], $0x1, s19, s17, $0xb8;
	[tilespmem:$0xE00] =	vst v63  }
0x27: {  	_ = 	snop  }
0x28: {  	[tilespmem:s9], [sflag:$0x1] =	stream.indirect.gather [hbm4b:s15+s17], $0x1, s2, s17, $0xb8;
	[tilespmem:$0xE00] =	vst v63  }
0x29: {  	s0 =	rddreg [dreg:$0xd]  }
0x2a: {  	[tilespmem:s0], [sflag:$0x1] =	stream.indirect.gather [hbm4b:s15+s17], $0x1, s17, s17, $0xb8;
	[tilespmem:$0xE00] =	vst v63  }
0x2b: {  	s1 =	rddreg [dreg:$0xe]  }
0x2c: {  	[tilespmem:s1], [sflag:$0x1] =	stream.indirect.gather [hbm4b:s15+s17], $0x1, s18, s17, $0xb8;
	[tilespmem:$0xE00] =	vst v63  }
0x2d: {  	s0 =	rddreg [dreg:$0xf]  }
0x2e: {  	[tilespmem:s0], [sflag:$0x1] =	stream.indirect.gather [hbm4b:s15+s17], $0x1, s19, s17, $0xb8;
	[tilespmem:$0xE00] =	vst v63  }
0x2f: {  	_ = 	snop  }
0x30: {  	[tilespmem:s7], [sflag:$0x1] =	stream.indirect.gather [hbm4b:s14+s17], $0x1, s2, s17, $0xb8;
	[tilespmem:$0xE00] =	vst v63  }
0x31: {  	s1 =	rddreg [dreg:$0x10]  }
0x32: {  	[tilespmem:s1], [sflag:$0x1] =	stream.indirect.gather [hbm4b:s14+s17], $0x1, s17, s17, $0xb8;
	[tilespmem:$0xE00] =	vst v63  }
0x33: {  	s1 =	simm.s32 $0x700  }
0x34: {  	[tilespmem:s1], [sflag:$0x1] =	stream.indirect.gather [hbm4b:s14+s17], $0x1, s18, s17, $0xb8;
	[tilespmem:$0xE00] =	vst v63  }
0x35: {  	_ = 	snop  }
0x36: {  	[tilespmem:s22], [sflag:$0x1] =	stream.indirect.gather [hbm4b:s14+s17], $0x1, s19, s17, $0xb8;
	[tilespmem:$0xE00] =	vst v63  }
0x37: {  	_ = 	snop  }
0x38: {  	[tilespmem:s6], [sflag:$0x1] =	stream.indirect.gather [hbm4b:s13+s17], $0x1, s2, s17, $0xb8;
	[tilespmem:$0xE00] =	vst v63  }
0x39: {  	_ = 	snop  }
0x3a: {  	[tilespmem:s23], [sflag:$0x1] =	stream.indirect.gather [hbm4b:s13+s17], $0x1, s17, s17, $0xb8;
	[tilespmem:$0xE00] =	vst v63  }
0x3b: {  	_ = 	snop  }
0x3c: {  	[tilespmem:s24], [sflag:$0x1] =	stream.indirect.gather [hbm4b:s13+s17], $0x1, s18, s17, $0xb8;
	[tilespmem:$0xE00] =	vst v63  }
0x3d: {  	_ = 	snop  }
0x3e: {  	[tilespmem:s25], [sflag:$0x1] =	stream.indirect.gather [hbm4b:s13+s17], $0x1, s19, s17, $0xb8;
	[tilespmem:$0xE00] =	vst v63  }
0x3f: {  	_ = 	snop  }
0x40: {  	[tilespmem:s5], [sflag:$0x1] =	stream.indirect.gather [hbm4b:s12+s17], $0x1, s2, s17, $0xb8;
	[tilespmem:$0xE00] =	vst v63  }
0x41: {  	_ = 	snop  }
0x42: {  	[tilespmem:s26], [sflag:$0x1] =	stream.indirect.gather [hbm4b:s12+s17], $0x1, s17, s17, $0xb8;
	[tilespmem:$0xE00] =	vst v63  }
0x43: {  	_ = 	snop  }
0x44: {  	[tilespmem:s28], [sflag:$0x1] =	stream.indirect.gather [hbm4b:s12+s17], $0x1, s18, s17, $0xb8;
	[tilespmem:$0xE00] =	vst v63  }
0x45: {  	_ = 	snop  }
0x46: {  	[tilespmem:s29], [sflag:$0x1] =	stream.indirect.gather [hbm4b:s12+s17], $0x1, s19, s17, $0xb8;
	[tilespmem:$0xE00] =	vst v63  }
0x47: {  	_ = 	snop  }
0x48: {  	[tilespmem:s8], [sflag:$0x1] =	stream.indirect.gather [hbm4b:s10+s17], $0x1, s2, s17, $0xb8;
	[tilespmem:$0xE00] =	vst v63  }
0x49: {  	_ = 	snop  }
0x4a: {  	[tilespmem:s30], [sflag:$0x1] =	stream.indirect.gather [hbm4b:s10+s17], $0x1, s17, s17, $0xb8;
	[tilespmem:$0xE00] =	vst v63  }
0x4b: {  	_ = 	snop  }
0x4c: {  	[tilespmem:s31], [sflag:$0x1] =	stream.indirect.gather [hbm4b:s10+s17], $0x1, s18, s17, $0xb8;
	[tilespmem:$0xE00] =	vst v63  }
0x4d: {  	_ = 	snop  }
0x4e: {  	[tilespmem:s21], [sflag:$0x1] =	stream.indirect.gather [hbm4b:s10+s17], $0x1, s19, s17, $0xb8;
	[tilespmem:$0xE00] =	vst v63  }
0x4f: {  	_ =	swait.ge [sflag:s11], $0x80  }
0x50: {  	[sflag:s11] =	ssyncset.done $0x0  }
0x51: {  	[sflag:s11] =	ssyncadd.s32 $0xFFFFFF80  }
0x52: {  	_ =	swait.ge [sflag:s11], $0x80  }
0x53: {  	[sflag:s11] =	ssyncset.done $0x0  }
0x54: {  	[sflag:s11] =	ssyncadd.s32 $0xFFFFFF80  }
0x55: {  	_ =	swait.ge [sflag:s11], $0x80  }
0x56: {  	[sflag:s11] =	ssyncset.done $0x0  }
0x57: {  	[sflag:s11] =	ssyncadd.s32 $0xFFFFFF80  }
0x58: {  	_ =	swait.ge [sflag:s11], $0x80  }
0x59: {  	[sflag:s11] =	ssyncset.done $0x0  }
0x5a: {  	[sflag:s11] =	ssyncadd.s32 $0xFFFFFF80  }
0x5b: {  	_ =	swait.ge [sflag:s11], $0x80  }
0x5c: {  	[sflag:s11] =	ssyncset.done $0x0  }
0x5d: {  	[sflag:s11] =	ssyncadd.s32 $0xFFFFFF80  }
0x5e: {  	_ =	swait.ge [sflag:s11], $0x80  }
0x5f: {  	[sflag:s11] =	ssyncset.done $0x0  }
0x60: {  	[sflag:s11] =	ssyncadd.s32 $0xFFFFFF80  }
0x61: {  	_ =	swait.ge [sflag:s11], $0x80  }
0x62: {  	[sflag:s11] =	ssyncset.done $0x0  }
0x63: {  	[sflag:s11] =	ssyncadd.s32 $0xFFFFFF80  }
0x64: {  	_ =	swait.ge [sflag:s11], $0x80  }
0x65: {  	[sflag:s11] =	ssyncset.done $0x0  }
0x66: {  	[sflag:s11] =	ssyncadd.s32 $0xFFFFFF80  }
0x67: {  	_ =	swait.ge [sflag:s11], $0x80  }
0x68: {  	[sflag:s11] =	ssyncset.done $0x0  }
0x69: {  	[sflag:s11] =	ssyncadd.s32 $0xFFFFFF80  }
0x6a: {  	_ =	swait.ge [sflag:s11], $0x80  }
0x6b: {  	[sflag:s11] =	ssyncset.done $0x0  }
0x6c: {  	[sflag:s11] =	ssyncadd.s32 $0xFFFFFF80  }
0x6d: {  	_ =	swait.ge [sflag:s11], $0x80  }
0x6e: {  	[sflag:s11] =	ssyncset.done $0x0  }
0x6f: {  	[sflag:s11] =	ssyncadd.s32 $0xFFFFFF80  }
0x70: {  	_ =	swait.ge [sflag:s11], $0x80  }
0x71: {  	[sflag:s11] =	ssyncset.done $0x0  }
0x72: {  	[sflag:s11] =	ssyncadd.s32 $0xFFFFFF80  }
0x73: {  	_ =	swait.ge [sflag:s11], $0x80  }
0x74: {  	[sflag:s11] =	ssyncset.done $0x0  }
0x75: {  	[sflag:s11] =	ssyncadd.s32 $0xFFFFFF80  }
0x76: {  	_ =	swait.ge [sflag:s11], $0x80  }
0x77: {  	[sflag:s11] =	ssyncset.done $0x0  }
0x78: {  	[sflag:s11] =	ssyncadd.s32 $0xFFFFFF80  }
0x79: {  	_ =	swait.ge [sflag:s11], $0x80  }
0x7a: {  	[sflag:s11] =	ssyncset.done $0x0  }
0x7b: {  	[sflag:s11] =	ssyncadd.s32 $0xFFFFFF80  }
0x7c: {  	_ =	swait.ge [sflag:s11], $0x80  }
0x7d: {  	[sflag:s11] =	ssyncset.done $0x0  }
0x7e: {  	[sflag:s11] =	ssyncadd.s32 $0xFFFFFF80  }
0x7f: {  	_ =	swait.ge [sflag:s11], $0x80  }
0x80: {  	[sflag:s11] =	ssyncset.done $0x0  }
0x81: {  	[sflag:s11] =	ssyncadd.s32 $0xFFFFFF80  }
0x82: {  	_ =	swait.ge [sflag:s11], $0x80  }
0x83: {  	[sflag:s11] =	ssyncset.done $0x0  }
0x84: {  	[sflag:s11] =	ssyncadd.s32 $0xFFFFFF80  }
0x85: {  	_ =	swait.ge [sflag:s11], $0x80  }
0x86: {  	[sflag:s11] =	ssyncset.done $0x0  }
0x87: {  	[sflag:s11] =	ssyncadd.s32 $0xFFFFFF80  }
0x88: {  	_ =	swait.ge [sflag:s11], $0x80  }
0x89: {  	[sflag:s11] =	ssyncset.done $0x0  }
0x8a: {  	[sflag:s11] =	ssyncadd.s32 $0xFFFFFF80  }
0x8b: {  	_ =	swait.ge [sflag:s11], $0x80  }
0x8c: {  	[sflag:s11] =	ssyncset.done $0x0  }
0x8d: {  	[sflag:s11] =	ssyncadd.s32 $0xFFFFFF80  }
0x8e: {  	_ =	swait.ge [sflag:s11], $0x80  }
0x8f: {  	[sflag:s11] =	ssyncset.done $0x0  }
0x90: {  	[sflag:s11] =	ssyncadd.s32 $0xFFFFFF80  }
0x91: {  	_ =	swait.ge [sflag:s11], $0x80  }
0x92: {  	[sflag:s11] =	ssyncset.done $0x0  }
0x93: {  	[sflag:s11] =	ssyncadd.s32 $0xFFFFFF80  }
0x94: {  	_ =	swait.ge [sflag:s11], $0x80  }
0x95: {  	[sflag:s11] =	ssyncset.done $0x0  }
0x96: {  	s1 =	rddreg [dreg:$0x4];
	[sflag:s11] =	ssyncadd.s32 $0xFFFFFF80  }
0x97: {  	[hbm4b:s1+s2] =	stream.linear.scatter [tilespmem:s4], [sflag:$0x2], $0x200, $0x38;
	[tilespmem:$0xE00] =	vst v63  }
0x98: {  	_ =	swait.ge [sflag:s3], $0x200  }
0x99: {  	[sflag:s3] =	ssyncset.done $0x0  }
0x9a: {  	s1 =	rddreg [dreg:$0x5];
	[sflag:s3] =	ssyncadd.s32 $0xFFFFFE00  }
0x9b: {  	[hbm4b:s1+s2] =	stream.linear.scatter [tilespmem:s9], [sflag:$0x2], $0x200, $0x38;
	[tilespmem:$0xE00] =	vst v63  }
0x9c: {  	_ =	swait.ge [sflag:s3], $0x200  }
0x9d: {  	[sflag:s3] =	ssyncset.done $0x0  }
0x9e: {  	s1 =	rddreg [dreg:$0x6];
	[sflag:s3] =	ssyncadd.s32 $0xFFFFFE00  }
0x9f: {  	[hbm4b:s1+s2] =	stream.linear.scatter [tilespmem:s7], [sflag:$0x2], $0x200, $0x38;
	[tilespmem:$0xE00] =	vst v63  }
0xa0: {  	_ =	swait.ge [sflag:s3], $0x200  }
0xa1: {  	[sflag:s3] =	ssyncset.done $0x0  }
0xa2: {  	s1 =	rddreg [dreg:$0x7];
	[sflag:s3] =	ssyncadd.s32 $0xFFFFFE00  }
0xa3: {  	[hbm4b:s1+s2] =	stream.linear.scatter [tilespmem:s6], [sflag:$0x2], $0x200, $0x38;
	[tilespmem:$0xE00] =	vst v63  }
0xa4: {  	_ =	swait.ge [sflag:s3], $0x200  }
0xa5: {  	[sflag:s3] =	ssyncset.done $0x0  }
0xa6: {  	s1 =	rddreg [dreg:$0x8];
	[sflag:s3] =	ssyncadd.s32 $0xFFFFFE00  }
0xa7: {  	[hbm4b:s1+s2] =	stream.linear.scatter [tilespmem:s5], [sflag:$0x2], $0x200, $0x38;
	[tilespmem:$0xE00] =	vst v63  }
0xa8: {  	p1 =	sne.s32 s20, $0x1;
	_ =	swait.ge [sflag:s3], $0x200  }
.Ltmp1:
0xa9: {  	[sflag:s3] =	ssyncset.done $0x0;
	(pc) =	sbr.rel @!p1 .LBB2_3-.Ltmp1, $4  }
0xaa: {  	s1 =	rddreg [dreg:$0x9];
	[sflag:s3] =	ssyncadd.s32 $0xFFFFFE00  }
0xab: {  	[hbm4b:s1+s2] =	stream.linear.scatter [tilespmem:s8], [sflag:$0x2], $0x200, $0x38;
	[tilespmem:$0xE00] =	vst v63  }
0xac: {  	p0 =	por $0x1, $0x1;
	_ =	swait.ge [sflag:s3], $0x200  }
0xad: {  	s0 =	sadd.s32 $0xFFFFFFFF, s20;
	s1 =	rddreg [dreg:$0x3];
	[sflag:s3] =	ssyncset.done $0x0  }
.LBB2_4:
0xae: {  	[sflag:s3] =	ssyncadd.s32 $0xFFFFFE00  }
0xaf: {  	[tilespmem:s2], [sflag:$0x2] =	stream.linear.gather [hbm4b:s1+s2], $0x200, $0x38;
	[tilespmem:$0xE00] =	vst v63  }
0xb0: {  	_ =	swait.ge [sflag:s3], $0x200  }
0xb1: {  	[sflag:s3] =	ssyncset.done $0x0  }
0xb2: {  	[sflag:s3] =	ssyncadd.s32 $0xFFFFFE00  }
0xb3: {  	[tilespmem:s4], [sflag:$0x1] =	stream.indirect.gather [hbm4b:s16+s17], $0x1, s2, s17, $0xb8;
	[tilespmem:$0xE00] =	vst v63  }
0xb4: {  	s1 =	rddreg [dreg:$0xa]  }
0xb5: {  	[tilespmem:s1], [sflag:$0x1] =	stream.indirect.gather [hbm4b:s16+s17], $0x1, s17, s17, $0xb8;
	[tilespmem:$0xE00] =	vst v63  }
0xb6: {  	s20 =	rddreg [dreg:$0xb]  }
0xb7: {  	[tilespmem:s20], [sflag:$0x1] =	stream.indirect.gather [hbm4b:s16+s17], $0x1, s18, s17, $0xb8;
	[tilespmem:$0xE00] =	vst v63  }
0xb8: {  	s1 =	rddreg [dreg:$0xc]  }
0xb9: {  	[tilespmem:s1], [sflag:$0x1] =	stream.indirect.gather [hbm4b:s16+s17], $0x1, s19, s17, $0xb8;
	[tilespmem:$0xE00] =	vst v63  }
0xba: {  	_ = 	snop  }
0xbb: {  	[tilespmem:s9], [sflag:$0x1] =	stream.indirect.gather [hbm4b:s15+s17], $0x1, s2, s17, $0xb8;
	[tilespmem:$0xE00] =	vst v63  }
0xbc: {  	s1 =	rddreg [dreg:$0xd]  }
0xbd: {  	[tilespmem:s1], [sflag:$0x1] =	stream.indirect.gather [hbm4b:s15+s17], $0x1, s17, s17, $0xb8;
	[tilespmem:$0xE00] =	vst v63  }
0xbe: {  	s20 =	rddreg [dreg:$0xe]  }
0xbf: {  	[tilespmem:s20], [sflag:$0x1] =	stream.indirect.gather [hbm4b:s15+s17], $0x1, s18, s17, $0xb8;
	[tilespmem:$0xE00] =	vst v63  }
0xc0: {  	s1 =	rddreg [dreg:$0xf]  }
0xc1: {  	[tilespmem:s1], [sflag:$0x1] =	stream.indirect.gather [hbm4b:s15+s17], $0x1, s19, s17, $0xb8;
	[tilespmem:$0xE00] =	vst v63  }
0xc2: {  	_ = 	snop  }
0xc3: {  	[tilespmem:s7], [sflag:$0x1] =	stream.indirect.gather [hbm4b:s14+s17], $0x1, s2, s17, $0xb8;
	[tilespmem:$0xE00] =	vst v63  }
0xc4: {  	s20 =	rddreg [dreg:$0x10]  }
0xc5: {  	[tilespmem:s20], [sflag:$0x1] =	stream.indirect.gather [hbm4b:s14+s17], $0x1, s17, s17, $0xb8;
	[tilespmem:$0xE00] =	vst v63  }
0xc6: {  	s20 =	simm.s32 $0x700  }
0xc7: {  	[tilespmem:s20], [sflag:$0x1] =	stream.indirect.gather [hbm4b:s14+s17], $0x1, s18, s17, $0xb8;
	[tilespmem:$0xE00] =	vst v63  }
0xc8: {  	_ = 	snop  }
0xc9: {  	[tilespmem:s22], [sflag:$0x1] =	stream.indirect.gather [hbm4b:s14+s17], $0x1, s19, s17, $0xb8;
	[tilespmem:$0xE00] =	vst v63  }
0xca: {  	_ = 	snop  }
0xcb: {  	[tilespmem:s6], [sflag:$0x1] =	stream.indirect.gather [hbm4b:s13+s17], $0x1, s2, s17, $0xb8;
	[tilespmem:$0xE00] =	vst v63  }
0xcc: {  	_ = 	snop  }
0xcd: {  	[tilespmem:s23], [sflag:$0x1] =	stream.indirect.gather [hbm4b:s13+s17], $0x1, s17, s17, $0xb8;
	[tilespmem:$0xE00] =	vst v63  }
0xce: {  	_ = 	snop  }
0xcf: {  	[tilespmem:s24], [sflag:$0x1] =	stream.indirect.gather [hbm4b:s13+s17], $0x1, s18, s17, $0xb8;
	[tilespmem:$0xE00] =	vst v63  }
0xd0: {  	_ = 	snop  }
0xd1: {  	[tilespmem:s25], [sflag:$0x1] =	stream.indirect.gather [hbm4b:s13+s17], $0x1, s19, s17, $0xb8;
	[tilespmem:$0xE00] =	vst v63  }
0xd2: {  	_ = 	snop  }
0xd3: {  	[tilespmem:s5], [sflag:$0x1] =	stream.indirect.gather [hbm4b:s12+s17], $0x1, s2, s17, $0xb8;
	[tilespmem:$0xE00] =	vst v63  }
0xd4: {  	_ = 	snop  }
0xd5: {  	[tilespmem:s26], [sflag:$0x1] =	stream.indirect.gather [hbm4b:s12+s17], $0x1, s17, s17, $0xb8;
	[tilespmem:$0xE00] =	vst v63  }
0xd6: {  	_ = 	snop  }
0xd7: {  	[tilespmem:s28], [sflag:$0x1] =	stream.indirect.gather [hbm4b:s12+s17], $0x1, s18, s17, $0xb8;
	[tilespmem:$0xE00] =	vst v63  }
0xd8: {  	_ = 	snop  }
0xd9: {  	[tilespmem:s29], [sflag:$0x1] =	stream.indirect.gather [hbm4b:s12+s17], $0x1, s19, s17, $0xb8;
	[tilespmem:$0xE00] =	vst v63  }
0xda: {  	_ = 	snop  }
0xdb: {  	[tilespmem:s8], [sflag:$0x1] =	stream.indirect.gather [hbm4b:s10+s17], $0x1, s2, s17, $0xb8;
	[tilespmem:$0xE00] =	vst v63  }
0xdc: {  	_ = 	snop  }
0xdd: {  	[tilespmem:s30], [sflag:$0x1] =	stream.indirect.gather [hbm4b:s10+s17], $0x1, s17, s17, $0xb8;
	[tilespmem:$0xE00] =	vst v63  }
0xde: {  	_ = 	snop  }
0xdf: {  	[tilespmem:s31], [sflag:$0x1] =	stream.indirect.gather [hbm4b:s10+s17], $0x1, s18, s17, $0xb8;
	[tilespmem:$0xE00] =	vst v63  }
0xe0: {  	_ = 	snop  }
0xe1: {  	[tilespmem:s21], [sflag:$0x1] =	stream.indirect.gather [hbm4b:s10+s17], $0x1, s19, s17, $0xb8;
	[tilespmem:$0xE00] =	vst v63  }
0xe2: {  	_ =	swait.ge [sflag:s11], $0x80  }
0xe3: {  	[sflag:s11] =	ssyncset.done $0x0  }
0xe4: {  	[sflag:s11] =	ssyncadd.s32 $0xFFFFFF80  }
0xe5: {  	_ =	swait.ge [sflag:s11], $0x80  }
0xe6: {  	[sflag:s11] =	ssyncset.done $0x0  }
0xe7: {  	[sflag:s11] =	ssyncadd.s32 $0xFFFFFF80  }
0xe8: {  	_ =	swait.ge [sflag:s11], $0x80  }
0xe9: {  	[sflag:s11] =	ssyncset.done $0x0  }
0xea: {  	[sflag:s11] =	ssyncadd.s32 $0xFFFFFF80  }
0xeb: {  	_ =	swait.ge [sflag:s11], $0x80  }
0xec: {  	[sflag:s11] =	ssyncset.done $0x0  }
0xed: {  	[sflag:s11] =	ssyncadd.s32 $0xFFFFFF80  }
0xee: {  	_ =	swait.ge [sflag:s11], $0x80  }
0xef: {  	[sflag:s11] =	ssyncset.done $0x0  }
0xf0: {  	[sflag:s11] =	ssyncadd.s32 $0xFFFFFF80  }
0xf1: {  	_ =	swait.ge [sflag:s11], $0x80  }
0xf2: {  	[sflag:s11] =	ssyncset.done $0x0  }
0xf3: {  	[sflag:s11] =	ssyncadd.s32 $0xFFFFFF80  }
0xf4: {  	_ =	swait.ge [sflag:s11], $0x80  }
0xf5: {  	[sflag:s11] =	ssyncset.done $0x0  }
0xf6: {  	[sflag:s11] =	ssyncadd.s32 $0xFFFFFF80  }
0xf7: {  	_ =	swait.ge [sflag:s11], $0x80  }
0xf8: {  	[sflag:s11] =	ssyncset.done $0x0  }
0xf9: {  	[sflag:s11] =	ssyncadd.s32 $0xFFFFFF80  }
0xfa: {  	_ =	swait.ge [sflag:s11], $0x80  }
0xfb: {  	[sflag:s11] =	ssyncset.done $0x0  }
0xfc: {  	[sflag:s11] =	ssyncadd.s32 $0xFFFFFF80  }
0xfd: {  	_ =	swait.ge [sflag:s11], $0x80  }
0xfe: {  	[sflag:s11] =	ssyncset.done $0x0  }
0xff: {  	[sflag:s11] =	ssyncadd.s32 $0xFFFFFF80  }
0x100: {  	_ =	swait.ge [sflag:s11], $0x80  }
0x101: {  	[sflag:s11] =	ssyncset.done $0x0  }
0x102: {  	[sflag:s11] =	ssyncadd.s32 $0xFFFFFF80  }
0x103: {  	_ =	swait.ge [sflag:s11], $0x80  }
0x104: {  	[sflag:s11] =	ssyncset.done $0x0  }
0x105: {  	[sflag:s11] =	ssyncadd.s32 $0xFFFFFF80  }
0x106: {  	_ =	swait.ge [sflag:s11], $0x80  }
0x107: {  	[sflag:s11] =	ssyncset.done $0x0  }
0x108: {  	[sflag:s11] =	ssyncadd.s32 $0xFFFFFF80  }
0x109: {  	_ =	swait.ge [sflag:s11], $0x80  }
0x10a: {  	[sflag:s11] =	ssyncset.done $0x0  }
0x10b: {  	[sflag:s11] =	ssyncadd.s32 $0xFFFFFF80  }
0x10c: {  	_ =	swait.ge [sflag:s11], $0x80  }
0x10d: {  	[sflag:s11] =	ssyncset.done $0x0  }
0x10e: {  	[sflag:s11] =	ssyncadd.s32 $0xFFFFFF80  }
0x10f: {  	_ =	swait.ge [sflag:s11], $0x80  }
0x110: {  	[sflag:s11] =	ssyncset.done $0x0  }
0x111: {  	[sflag:s11] =	ssyncadd.s32 $0xFFFFFF80  }
0x112: {  	_ =	swait.ge [sflag:s11], $0x80  }
0x113: {  	[sflag:s11] =	ssyncset.done $0x0  }
0x114: {  	[sflag:s11] =	ssyncadd.s32 $0xFFFFFF80  }
0x115: {  	_ =	swait.ge [sflag:s11], $0x80  }
0x116: {  	[sflag:s11] =	ssyncset.done $0x0  }
0x117: {  	[sflag:s11] =	ssyncadd.s32 $0xFFFFFF80  }
0x118: {  	_ =	swait.ge [sflag:s11], $0x80  }
0x119: {  	[sflag:s11] =	ssyncset.done $0x0  }
0x11a: {  	[sflag:s11] =	ssyncadd.s32 $0xFFFFFF80  }
0x11b: {  	_ =	swait.ge [sflag:s11], $0x80  }
0x11c: {  	[sflag:s11] =	ssyncset.done $0x0  }
0x11d: {  	[sflag:s11] =	ssyncadd.s32 $0xFFFFFF80  }
0x11e: {  	_ =	swait.ge [sflag:s11], $0x80  }
0x11f: {  	[sflag:s11] =	ssyncset.done $0x0  }
0x120: {  	[sflag:s11] =	ssyncadd.s32 $0xFFFFFF80  }
0x121: {  	_ =	swait.ge [sflag:s11], $0x80  }
0x122: {  	[sflag:s11] =	ssyncset.done $0x0  }
0x123: {  	[sflag:s11] =	ssyncadd.s32 $0xFFFFFF80  }
0x124: {  	_ =	swait.ge [sflag:s11], $0x80  }
0x125: {  	[sflag:s11] =	ssyncset.done $0x0  }
0x126: {  	[sflag:s11] =	ssyncadd.s32 $0xFFFFFF80  }
0x127: {  	_ =	swait.ge [sflag:s11], $0x80  }
0x128: {  	[sflag:s11] =	ssyncset.done $0x0  }
0x129: {  	s20 =	rddreg [dreg:$0x4];
	[sflag:s11] =	ssyncadd.s32 $0xFFFFFF80  }
0x12a: {  	[hbm4b:s20+s2] =	stream.linear.scatter [tilespmem:s4], [sflag:$0x2], $0x200, $0x38;
	[tilespmem:$0xE00] =	vst v63  }
0x12b: {  	_ =	swait.ge [sflag:s3], $0x200  }
0x12c: {  	[sflag:s3] =	ssyncset.done $0x0  }
0x12d: {  	s20 =	rddreg [dreg:$0x5];
	[sflag:s3] =	ssyncadd.s32 $0xFFFFFE00  }
0x12e: {  	[hbm4b:s20+s2] =	stream.linear.scatter [tilespmem:s9], [sflag:$0x2], $0x200, $0x38;
	[tilespmem:$0xE00] =	vst v63  }
0x12f: {  	_ =	swait.ge [sflag:s3], $0x200  }
0x130: {  	[sflag:s3] =	ssyncset.done $0x0  }
0x131: {  	s20 =	rddreg [dreg:$0x6];
	[sflag:s3] =	ssyncadd.s32 $0xFFFFFE00  }
0x132: {  	[hbm4b:s20+s2] =	stream.linear.scatter [tilespmem:s7], [sflag:$0x2], $0x200, $0x38;
	[tilespmem:$0xE00] =	vst v63  }
0x133: {  	_ =	swait.ge [sflag:s3], $0x200  }
0x134: {  	[sflag:s3] =	ssyncset.done $0x0  }
0x135: {  	s20 =	rddreg [dreg:$0x7];
	[sflag:s3] =	ssyncadd.s32 $0xFFFFFE00  }
0x136: {  	[hbm4b:s20+s2] =	stream.linear.scatter [tilespmem:s6], [sflag:$0x2], $0x200, $0x38;
	[tilespmem:$0xE00] =	vst v63  }
0x137: {  	_ =	swait.ge [sflag:s3], $0x200  }
0x138: {  	[sflag:s3] =	ssyncset.done $0x0  }
0x139: {  	s20 =	rddreg [dreg:$0x8];
	[sflag:s3] =	ssyncadd.s32 $0xFFFFFE00  }
0x13a: {  	[hbm4b:s20+s2] =	stream.linear.scatter [tilespmem:s5], [sflag:$0x2], $0x200, $0x38;
	[tilespmem:$0xE00] =	vst v63  }
0x13b: {  	p1 =	sne.s32 s0, $0x1;
	_ =	swait.ge [sflag:s3], $0x200  }
.Ltmp2:
0x13c: {  	[sflag:s3] =	ssyncset.done $0x0;
	(pc) =	sbr.rel @p1 .LBB2_4-.Ltmp2, $4  }
0x13d: {  	s20 =	rddreg [dreg:$0x9];
	[sflag:s3] =	ssyncadd.s32 $0xFFFFFE00  }
0x13e: {  	[hbm4b:s20+s2] =	stream.linear.scatter [tilespmem:s8], [sflag:$0x2], $0x200, $0x38;
	[tilespmem:$0xE00] =	vst v63  }
0x13f: {  	_ =	swait.ge [sflag:s3], $0x200  }
0x140: {  	s0 =	sadd.s32 $0xFFFFFFFF, s0;
	s1 =	rddreg [dreg:$0x3];
	[sflag:s3] =	ssyncset.done $0x0  }
0x141: {  	s31 =	simm.s32 $0xD00;
	s30 =	simm.s32 $0xC80  }
0x142: {  	s29 =	simm.s32 $0xB80;
	s28 =	simm.s32 $0xB00;
	s26 =	simm.s32 $0xA80  }
0x143: {  	s25 =	simm.s32 $0x980;
	s24 =	simm.s32 $0x900;
	s23 =	simm.s32 $0x880  }
0x144: {  	s22 =	simm.s32 $0x780;
	s21 =	simm.s32 $0x700;
	s20 =	rddreg [dreg:$0x2]  }
.LBB2_6:
0x145: {  	[sflag:s3] =	ssyncadd.s32 @p0 $0xFFFFFE00  }
0x146: {  	[tilespmem:s2], [sflag:$0x2] =	stream.linear.gather [hbm4b:s1+s2], $0x200, $0x38;
	[tilespmem:$0xE00] =	vst v63  }
0x147: {  	_ =	swait.ge [sflag:s3], $0x200  }
0x148: {  	[sflag:s3] =	ssyncset.done $0x0  }
0x149: {  	[sflag:s3] =	ssyncadd.s32 $0xFFFFFE00  }
0x14a: {  	[tilespmem:s4], [sflag:$0x1] =	stream.indirect.gather [hbm4b:s16+s17], $0x1, s2, s17, $0xb8;
	[tilespmem:$0xE00] =	vst v63  }
0x14b: {  	s0 =	rddreg [dreg:$0xa]  }
0x14c: {  	[tilespmem:s0], [sflag:$0x1] =	stream.indirect.gather [hbm4b:s16+s17], $0x1, s17, s17, $0xb8;
	[tilespmem:$0xE00] =	vst v63  }
0x14d: {  	s1 =	rddreg [dreg:$0xb]  }
0x14e: {  	[tilespmem:s1], [sflag:$0x1] =	stream.indirect.gather [hbm4b:s16+s17], $0x1, s18, s17, $0xb8;
	[tilespmem:$0xE00] =	vst v63  }
0x14f: {  	s0 =	rddreg [dreg:$0xc]  }
0x150: {  	[tilespmem:s0], [sflag:$0x1] =	stream.indirect.gather [hbm4b:s16+s17], $0x1, s19, s17, $0xb8;
	[tilespmem:$0xE00] =	vst v63  }
0x151: {  	_ = 	snop  }
0x152: {  	[tilespmem:s9], [sflag:$0x1] =	stream.indirect.gather [hbm4b:s15+s17], $0x1, s2, s17, $0xb8;
	[tilespmem:$0xE00] =	vst v63  }
0x153: {  	s16 =	rddreg [dreg:$0xd]  }
0x154: {  	[tilespmem:s16], [sflag:$0x1] =	stream.indirect.gather [hbm4b:s15+s17], $0x1, s17, s17, $0xb8;
	[tilespmem:$0xE00] =	vst v63  }
0x155: {  	s1 =	rddreg [dreg:$0xe]  }
0x156: {  	[tilespmem:s1], [sflag:$0x1] =	stream.indirect.gather [hbm4b:s15+s17], $0x1, s18, s17, $0xb8;
	[tilespmem:$0xE00] =	vst v63  }
0x157: {  	s16 =	rddreg [dreg:$0xf]  }
0x158: {  	[tilespmem:s16], [sflag:$0x1] =	stream.indirect.gather [hbm4b:s15+s17], $0x1, s19, s17, $0xb8;
	[tilespmem:$0xE00] =	vst v63  }
0x159: {  	_ = 	snop  }
0x15a: {  	[tilespmem:s7], [sflag:$0x1] =	stream.indirect.gather [hbm4b:s14+s17], $0x1, s2, s17, $0xb8;
	[tilespmem:$0xE00] =	vst v63  }
0x15b: {  	s16 =	rddreg [dreg:$0x10]  }
0x15c: {  	[tilespmem:s16], [sflag:$0x1] =	stream.indirect.gather [hbm4b:s14+s17], $0x1, s17, s17, $0xb8;
	[tilespmem:$0xE00] =	vst v63  }
0x15d: {  	_ = 	snop  }
0x15e: {  	[tilespmem:s21], [sflag:$0x1] =	stream.indirect.gather [hbm4b:s14+s17], $0x1, s18, s17, $0xb8;
	[tilespmem:$0xE00] =	vst v63  }
0x15f: {  	_ = 	snop  }
0x160: {  	[tilespmem:s22], [sflag:$0x1] =	stream.indirect.gather [hbm4b:s14+s17], $0x1, s19, s17, $0xb8;
	[tilespmem:$0xE00] =	vst v63  }
0x161: {  	_ = 	snop  }
0x162: {  	[tilespmem:s6], [sflag:$0x1] =	stream.indirect.gather [hbm4b:s13+s17], $0x1, s2, s17, $0xb8;
	[tilespmem:$0xE00] =	vst v63  }
0x163: {  	_ = 	snop  }
0x164: {  	[tilespmem:s23], [sflag:$0x1] =	stream.indirect.gather [hbm4b:s13+s17], $0x1, s17, s17, $0xb8;
	[tilespmem:$0xE00] =	vst v63  }
0x165: {  	_ = 	snop  }
0x166: {  	[tilespmem:s24], [sflag:$0x1] =	stream.indirect.gather [hbm4b:s13+s17], $0x1, s18, s17, $0xb8;
	[tilespmem:$0xE00] =	vst v63  }
0x167: {  	_ = 	snop  }
0x168: {  	[tilespmem:s25], [sflag:$0x1] =	stream.indirect.gather [hbm4b:s13+s17], $0x1, s19, s17, $0xb8;
	[tilespmem:$0xE00] =	vst v63  }
0x169: {  	_ = 	snop  }
0x16a: {  	[tilespmem:s5], [sflag:$0x1] =	stream.indirect.gather [hbm4b:s12+s17], $0x1, s2, s17, $0xb8;
	[tilespmem:$0xE00] =	vst v63  }
0x16b: {  	_ = 	snop  }
0x16c: {  	[tilespmem:s26], [sflag:$0x1] =	stream.indirect.gather [hbm4b:s12+s17], $0x1, s17, s17, $0xb8;
	[tilespmem:$0xE00] =	vst v63  }
0x16d: {  	_ = 	snop  }
0x16e: {  	[tilespmem:s28], [sflag:$0x1] =	stream.indirect.gather [hbm4b:s12+s17], $0x1, s18, s17, $0xb8;
	[tilespmem:$0xE00] =	vst v63  }
0x16f: {  	_ = 	snop  }
0x170: {  	[tilespmem:s29], [sflag:$0x1] =	stream.indirect.gather [hbm4b:s12+s17], $0x1, s19, s17, $0xb8;
	[tilespmem:$0xE00] =	vst v63  }
0x171: {  	_ = 	snop  }
0x172: {  	[tilespmem:s8], [sflag:$0x1] =	stream.indirect.gather [hbm4b:s10+s17], $0x1, s2, s17, $0xb8;
	[tilespmem:$0xE00] =	vst v63  }
0x173: {  	_ = 	snop  }
0x174: {  	[tilespmem:s30], [sflag:$0x1] =	stream.indirect.gather [hbm4b:s10+s17], $0x1, s17, s17, $0xb8;
	[tilespmem:$0xE00] =	vst v63  }
0x175: {  	_ = 	snop  }
0x176: {  	[tilespmem:s31], [sflag:$0x1] =	stream.indirect.gather [hbm4b:s10+s17], $0x1, s18, s17, $0xb8;
	[tilespmem:$0xE00] =	vst v63  }
0x177: {  	s23 =	simm.s32 $0xD80  }
0x178: {  	[tilespmem:s23], [sflag:$0x1] =	stream.indirect.gather [hbm4b:s10+s17], $0x1, s19, s17, $0xb8;
	[tilespmem:$0xE00] =	vst v63  }
0x179: {  	_ =	swait.ge [sflag:s11], $0x80  }
0x17a: {  	[sflag:s11] =	ssyncset.done $0x0  }
0x17b: {  	[sflag:s11] =	ssyncadd.s32 $0xFFFFFF80  }
0x17c: {  	_ =	swait.ge [sflag:s11], $0x80  }
0x17d: {  	[sflag:s11] =	ssyncset.done $0x0  }
0x17e: {  	[sflag:s11] =	ssyncadd.s32 $0xFFFFFF80  }
0x17f: {  	_ =	swait.ge [sflag:s11], $0x80  }
0x180: {  	[sflag:s11] =	ssyncset.done $0x0  }
0x181: {  	[sflag:s11] =	ssyncadd.s32 $0xFFFFFF80  }
0x182: {  	_ =	swait.ge [sflag:s11], $0x80  }
0x183: {  	[sflag:s11] =	ssyncset.done $0x0  }
0x184: {  	[sflag:s11] =	ssyncadd.s32 $0xFFFFFF80  }
0x185: {  	_ =	swait.ge [sflag:s11], $0x80  }
0x186: {  	[sflag:s11] =	ssyncset.done $0x0  }
0x187: {  	[sflag:s11] =	ssyncadd.s32 $0xFFFFFF80  }
0x188: {  	_ =	swait.ge [sflag:s11], $0x80  }
0x189: {  	[sflag:s11] =	ssyncset.done $0x0  }
0x18a: {  	[sflag:s11] =	ssyncadd.s32 $0xFFFFFF80  }
0x18b: {  	_ =	swait.ge [sflag:s11], $0x80  }
0x18c: {  	[sflag:s11] =	ssyncset.done $0x0  }
0x18d: {  	[sflag:s11] =	ssyncadd.s32 $0xFFFFFF80  }
0x18e: {  	_ =	swait.ge [sflag:s11], $0x80  }
0x18f: {  	[sflag:s11] =	ssyncset.done $0x0  }
0x190: {  	[sflag:s11] =	ssyncadd.s32 $0xFFFFFF80  }
0x191: {  	_ =	swait.ge [sflag:s11], $0x80  }
0x192: {  	[sflag:s11] =	ssyncset.done $0x0  }
0x193: {  	[sflag:s11] =	ssyncadd.s32 $0xFFFFFF80  }
0x194: {  	_ =	swait.ge [sflag:s11], $0x80  }
0x195: {  	[sflag:s11] =	ssyncset.done $0x0  }
0x196: {  	[sflag:s11] =	ssyncadd.s32 $0xFFFFFF80  }
0x197: {  	_ =	swait.ge [sflag:s11], $0x80  }
0x198: {  	[sflag:s11] =	ssyncset.done $0x0  }
0x199: {  	[sflag:s11] =	ssyncadd.s32 $0xFFFFFF80  }
0x19a: {  	_ =	swait.ge [sflag:s11], $0x80  }
0x19b: {  	[sflag:s11] =	ssyncset.done $0x0  }
0x19c: {  	[sflag:s11] =	ssyncadd.s32 $0xFFFFFF80  }
0x19d: {  	_ =	swait.ge [sflag:s11], $0x80  }
0x19e: {  	[sflag:s11] =	ssyncset.done $0x0  }
0x19f: {  	[sflag:s11] =	ssyncadd.s32 $0xFFFFFF80  }
0x1a0: {  	_ =	swait.ge [sflag:s11], $0x80  }
0x1a1: {  	[sflag:s11] =	ssyncset.done $0x0  }
0x1a2: {  	[sflag:s11] =	ssyncadd.s32 $0xFFFFFF80  }
0x1a3: {  	_ =	swait.ge [sflag:s11], $0x80  }
0x1a4: {  	[sflag:s11] =	ssyncset.done $0x0  }
0x1a5: {  	[sflag:s11] =	ssyncadd.s32 $0xFFFFFF80  }
0x1a6: {  	_ =	swait.ge [sflag:s11], $0x80  }
0x1a7: {  	[sflag:s11] =	ssyncset.done $0x0  }
0x1a8: {  	[sflag:s11] =	ssyncadd.s32 $0xFFFFFF80  }
0x1a9: {  	_ =	swait.ge [sflag:s11], $0x80  }
0x1aa: {  	[sflag:s11] =	ssyncset.done $0x0  }
0x1ab: {  	[sflag:s11] =	ssyncadd.s32 $0xFFFFFF80  }
0x1ac: {  	_ =	swait.ge [sflag:s11], $0x80  }
0x1ad: {  	[sflag:s11] =	ssyncset.done $0x0  }
0x1ae: {  	[sflag:s11] =	ssyncadd.s32 $0xFFFFFF80  }
0x1af: {  	_ =	swait.ge [sflag:s11], $0x80  }
0x1b0: {  	[sflag:s11] =	ssyncset.done $0x0  }
0x1b1: {  	[sflag:s11] =	ssyncadd.s32 $0xFFFFFF80  }
0x1b2: {  	_ =	swait.ge [sflag:s11], $0x80  }
0x1b3: {  	[sflag:s11] =	ssyncset.done $0x0  }
0x1b4: {  	[sflag:s11] =	ssyncadd.s32 $0xFFFFFF80  }
0x1b5: {  	_ =	swait.ge [sflag:s11], $0x80  }
0x1b6: {  	[sflag:s11] =	ssyncset.done $0x0  }
0x1b7: {  	[sflag:s11] =	ssyncadd.s32 $0xFFFFFF80  }
0x1b8: {  	_ =	swait.ge [sflag:s11], $0x80  }
0x1b9: {  	[sflag:s11] =	ssyncset.done $0x0  }
0x1ba: {  	[sflag:s11] =	ssyncadd.s32 $0xFFFFFF80  }
0x1bb: {  	_ =	swait.ge [sflag:s11], $0x80  }
0x1bc: {  	[sflag:s11] =	ssyncset.done $0x0  }
0x1bd: {  	[sflag:s11] =	ssyncadd.s32 $0xFFFFFF80  }
0x1be: {  	_ =	swait.ge [sflag:s11], $0x80  }
0x1bf: {  	[sflag:s11] =	ssyncset.done $0x0  }
0x1c0: {  	s24 =	rddreg [dreg:$0x4];
	[sflag:s11] =	ssyncadd.s32 $0xFFFFFF80  }
0x1c1: {  	[hbm4b:s24+s2] =	stream.linear.scatter [tilespmem:s4], [sflag:$0x2], $0x200, $0x38;
	[tilespmem:$0xE00] =	vst v63  }
0x1c2: {  	_ =	swait.ge [sflag:s3], $0x200  }
0x1c3: {  	[sflag:s3] =	ssyncset.done $0x0  }
0x1c4: {  	s25 =	rddreg [dreg:$0x5];
	[sflag:s3] =	ssyncadd.s32 $0xFFFFFE00  }
0x1c5: {  	[hbm4b:s25+s2] =	stream.linear.scatter [tilespmem:s9], [sflag:$0x2], $0x200, $0x38;
	[tilespmem:$0xE00] =	vst v63  }
0x1c6: {  	_ =	swait.ge [sflag:s3], $0x200  }
0x1c7: {  	[sflag:s3] =	ssyncset.done $0x0  }
0x1c8: {  	s26 =	rddreg [dreg:$0x6];
	[sflag:s3] =	ssyncadd.s32 $0xFFFFFE00  }
0x1c9: {  	[hbm4b:s26+s2] =	stream.linear.scatter [tilespmem:s7], [sflag:$0x2], $0x200, $0x38;
	[tilespmem:$0xE00] =	vst v63  }
0x1ca: {  	_ =	swait.ge [sflag:s3], $0x200  }
0x1cb: {  	[sflag:s3] =	ssyncset.done $0x0  }
0x1cc: {  	s28 =	rddreg [dreg:$0x7];
	[sflag:s3] =	ssyncadd.s32 $0xFFFFFE00  }
0x1cd: {  	[hbm4b:s28+s2] =	stream.linear.scatter [tilespmem:s6], [sflag:$0x2], $0x200, $0x38;
	[tilespmem:$0xE00] =	vst v63  }
0x1ce: {  	_ =	swait.ge [sflag:s3], $0x200  }
0x1cf: {  	[sflag:s3] =	ssyncset.done $0x0  }
0x1d0: {  	s29 =	rddreg [dreg:$0x8];
	[sflag:s3] =	ssyncadd.s32 $0xFFFFFE00  }
0x1d1: {  	[hbm4b:s29+s2] =	stream.linear.scatter [tilespmem:s5], [sflag:$0x2], $0x200, $0x38;
	[tilespmem:$0xE00] =	vst v63  }
0x1d2: {  	_ =	swait.ge [sflag:s3], $0x200  }
0x1d3: {  	[sflag:s3] =	ssyncset.done $0x0  }
0x1d4: {  	s30 =	rddreg [dreg:$0x9];
	[sflag:s3] =	ssyncadd.s32 $0xFFFFFE00  }
0x1d5: {  	[hbm4b:s30+s2] =	stream.linear.scatter [tilespmem:s8], [sflag:$0x2], $0x200, $0x38;
	[tilespmem:$0xE00] =	vst v63  }
0x1d6: {  	_ =	swait.ge [sflag:s3], $0x200  }
0x1d7: {  	[sflag:s3] =	ssyncset.done $0x0  }
0x1d8: {  	[sflag:s3] =	ssyncadd.s32 $0xFFFFFE00  }
0x1d9: {  	_ =	sfence.sel $0x180000  }
0x1da: {  	s31 =	stileid.u32;
	[bflag:$0x0] =	sbarrier.arrive $0xFFFF  }
0x1db: {  	p0 =	sne.s32 s31, $0x0;
	_ =	strace $0x90000047  }
0x1dc: {  	s0 =	sadd.s32 @!p0 $0x100000, s20;
	[bflag:$0x2] =	sbarrier.arrive $0xFFFF  }
0x1dd: {  	[sflag:s0] =	ssyncadd.tile.s32 @!p0 $0x1;
	_ =	shalt  }
.LBB2_1:
.Ltmp3:
0x1de: {  	(pc) =	sbr.rel .LBB2_6-.Ltmp3, $4  }
0x1df: {  	s31 =	simm.s32 $0xD00  }
0x1e0: {  	s30 =	simm.s32 $0xC80;
	s29 =	simm.s32 $0xB80;
	s28 =	simm.s32 $0xB00  }
0x1e1: {  	s26 =	simm.s32 $0xA80;
	s25 =	simm.s32 $0x980;
	s24 =	simm.s32 $0x900  }
0x1e2: {  	s23 =	simm.s32 $0x880;
	s22 =	simm.s32 $0x780;
	s21 =	simm.s32 $0x700  }
.LBB2_3:
.Ltmp4:
0x1e3: {  	(pc) =	sbr.rel .LBB2_6-.Ltmp4, $4  }
0x1e4: {  	s31 =	simm.s32 $0xD00;
	s30 =	simm.s32 $0xC80  }
0x1e5: {  	s29 =	simm.s32 $0xB80;
	s28 =	simm.s32 $0xB00;
	s26 =	simm.s32 $0xA80  }
0x1e6: {  	s25 =	simm.s32 $0x980;
	s24 =	simm.s32 $0x900;
	s23 =	simm.s32 $0x880  }
0x1e7: {  	s22 =	simm.s32 $0x780;
	s21 =	simm.s32 $0x700;
	s20 =	rddreg [dreg:$0x2]  }
.Lfunc_end2:
_tile_overlayer_lowered:
.L_overlay_start_2:
0x1e8: {  	(tag) =	ssettag $0x2  }
0x1e9: {  	s0 =	rddreg [dreg:$0x0];
	s2 =	stileid.u32  }
0x1ea: {  	s1 =	rddreg [dreg:$0x1];
	p0 =	sne.s32 s2, $0x0  }
0x1eb: {  	s3 =	rddreg [dreg:$0x2];
	[bflag:$0x3] =	sbarrier.arrive $0xFFFF;
	s2 =	simm.s32 @!p0 $0x1C02  }
0x1ec: {  	[timem:s3], [sflag:s2] =	dma.local @!p0 [hbm:s0], s1  }
0x1ed: {  	s0 =	simm.s32 @!p0 $0x2  }
0x1ee: {  	_ =	swait.ge @!p0 [sflag:s0], s1  }
0x1ef: {  	s1 =	ssub.s32 @!p0 $0x0, s1;
	[sflag:s0] =	ssyncset.done @!p0 $0x0  }
0x1f0: {  	[sflag:s0] =	ssyncadd.s32 @!p0 s1  }
0x1f1: {  	[bflag:$0x3] =	sbarrier.arrive $0xFFFF  }
0x1f2: {  	_ =	shalt  }

</sc_bundles>
